<compile_context>
chip_gen: v7x
topology: tpu7x:2x2x1
jax: 0.10.2.dev20260603
libtpu: 0.0.44.dev20260713+nightly
codegen_flags: <defaults>
</compile_context>

<pallas_src>
import functools

import jax
import jax.numpy as jnp
from jax import lax
from jax.experimental import pallas as pl
from jax.experimental.pallas import tpu as pltpu
from jax.experimental.pallas import tpu_sc as plsc

N = 100000
E = 6400000
D = 128
H = 64
G = 64
FIX_R = 0.7


TN = 10000
NB = N // TN


def _tc_body(x_ref, b3_ref, w1_ref, b1_ref, w2_ref, b2_ref, wc_ref, bc_ref,
             lg_ref, clf_ref, seg_acc, cnt_acc):
    i = pl.program_id(0)

    @pl.when(i == 0)
    def _init():
        seg_acc[...] = jnp.zeros_like(seg_acc)
        cnt_acc[...] = jnp.zeros_like(cnt_acc)

    x = x_ref[...]
    h = jnp.maximum(
        jnp.dot(x, w1_ref[...], preferred_element_type=jnp.float32)
        + b1_ref[...], 0.0)
    lg_ref[...] = jnp.dot(h, w2_ref[...],
                          preferred_element_type=jnp.float32) + b2_ref[...]

    bt = b3_ref[0]
    seg_ids = lax.broadcasted_iota(jnp.int32, (G, TN), 0)
    onehot = (seg_ids == bt).astype(jnp.float32)
    seg_acc[...] = seg_acc[...] + jnp.dot(
        onehot, x, preferred_element_type=jnp.float32)
    cnt_acc[...] = cnt_acc[...] + jnp.sum(onehot, axis=1, keepdims=True)

    @pl.when(i == NB - 1)
    def _fin():
        pooled = seg_acc[...] / jnp.maximum(cnt_acc[...], 1.0)
        clf_ref[...] = jnp.dot(pooled, wc_ref[...],
                               preferred_element_type=jnp.float32) + bc_ref[...]


_tc_call = pl.pallas_call(
    _tc_body,
    grid=(NB,),
    in_specs=[
        pl.BlockSpec((TN, D), lambda i: (i, 0)),
        pl.BlockSpec((1, 1, TN), lambda i: (i, 0, 0)),
        pl.BlockSpec((D, H), lambda i: (0, 0)),
        pl.BlockSpec((1, H), lambda i: (0, 0)),
        pl.BlockSpec((H, 1), lambda i: (0, 0)),
        pl.BlockSpec((1, 1), lambda i: (0, 0)),
        pl.BlockSpec((D, 1), lambda i: (0, 0)),
        pl.BlockSpec((1, 1), lambda i: (0, 0)),
    ],
    out_specs=[
        pl.BlockSpec((TN, 1), lambda i: (i, 0)),
        pl.BlockSpec((G, 1), lambda i: (0, 0)),
    ],
    out_shape=[
        jax.ShapeDtypeStruct((100096, 1), jnp.float32),
        jax.ShapeDtypeStruct((G, 1), jnp.float32),
    ],
    scratch_shapes=[
        pltpu.VMEM((G, D), jnp.float32),
        pltpu.VMEM((G, 1), jnp.float32),
    ],
)


NP = 100096
WR = NP // 128


def _att_body(lgw_ref, att_ref):
    lg = lgw_ref[...]
    att_ref[...] = 1.0 / (1.0 + jnp.exp(-lg))


_att_call = pl.pallas_call(
    _att_body,
    out_shape=jax.ShapeDtypeStruct((WR, 128), jnp.float32),
)


def _loss_body(att_ref, clf_ref, y_ref, loss_ref):
    att = att_ref[...]
    r = FIX_R
    il = att * jnp.log(att / r + 1e-06) \
        + (1.0 - att) * jnp.log((1.0 - att) / (1.0 - r + 1e-06) + 1e-06)
    flat = (lax.broadcasted_iota(jnp.int32, (WR, 128), 0) * 128
            + lax.broadcasted_iota(jnp.int32, (WR, 128), 1))
    il = jnp.where(flat < N, il, 0.0)
    info = jnp.sum(il) / jnp.float32(N)
    clf = clf_ref[...]
    yf = y_ref[...].astype(jnp.float32)
    pred = jnp.mean(jnp.maximum(clf, 0.0)
                    + jnp.log(1.0 + jnp.exp(-jnp.abs(clf))) - clf * yf)
    loss_ref[...] = (pred + info).reshape(1, 1)


_loss_call = pl.pallas_call(
    _loss_body,
    out_shape=jax.ShapeDtypeStruct((1, 1), jnp.float32),
)


NC = 2
NS = 16
NW = NC * NS
C = 5120
M = E // C
TPAIR = (M + 2 * NW - 1) // (2 * NW)


def _gather_chunk(table, idx2, prod):
    @plsc.parallel_loop(0, C, 16, unroll=16)
    def _inner(j):
        vs = idx2[0, pl.ds(j, 16)]
        vd = idx2[1, pl.ds(j, 16)]
        a = plsc.load_gather(table, [vs])
        b = plsc.load_gather(table, [vd])
        prod[pl.ds(j, 16)] = a * b


def _sc_body(att_hbm, ei_hbm, out_hbm, table, ixa, ixb, pra, prb,
             s_tab, s_ia, s_ib, s_oa, s_ob):
    wid = lax.axis_index("s") * NC + lax.axis_index("c")
    tab_cp = pltpu.async_copy(att_hbm, table, s_tab)
    pltpu.async_copy(ei_hbm.at[:, pl.ds(wid * C, C)], ixa, s_ia)
    tab_cp.wait()

    def pair_body(t, carry):
        ga = wid + (2 * t) * NW
        gb = wid + (2 * t + 1) * NW
        gn = wid + (2 * t + 2) * NW

        @pl.when(gb < M)
        def _issue_b():
            pltpu.async_copy(ei_hbm.at[:, pl.ds(gb * C, C)], ixb, s_ib)

        @pl.when(ga < M)
        def _do_a():
            pltpu.make_async_copy(
                ei_hbm.at[:, pl.ds(ga * C, C)], ixa, s_ia).wait()

            @pl.when((t > 0) & (ga < M))
            def _drain_oa():
                pltpu.make_async_copy(
                    pra, out_hbm.at[pl.ds(ga * C, C)], s_oa).wait()

            _gather_chunk(table, ixa, pra)
            pltpu.async_copy(pra, out_hbm.at[pl.ds(ga * C, C)], s_oa)

        @pl.when(gn < M)
        def _issue_next_a():
            pltpu.async_copy(ei_hbm.at[:, pl.ds(gn * C, C)], ixa, s_ia)

        @pl.when(gb < M)
        def _do_b():
            pltpu.make_async_copy(
                ei_hbm.at[:, pl.ds(gb * C, C)], ixb, s_ib).wait()

            @pl.when((t > 0) & (gb < M))
            def _drain_ob():
                pltpu.make_async_copy(
                    prb, out_hbm.at[pl.ds(gb * C, C)], s_ob).wait()

            _gather_chunk(table, ixb, prb)
            pltpu.async_copy(prb, out_hbm.at[pl.ds(gb * C, C)], s_ob)

        return carry

    lax.fori_loop(0, TPAIR, pair_body, 0)

    ga_last = wid + (2 * TPAIR - 2) * NW
    gb_last = wid + (2 * TPAIR - 1) * NW

    @pl.when(ga_last < M)
    def _final_oa():
        pltpu.make_async_copy(
            pra, out_hbm.at[pl.ds(ga_last * C, C)], s_oa).wait()

    @pl.when(gb_last < M)
    def _final_ob():
        pltpu.make_async_copy(
            prb, out_hbm.at[pl.ds(gb_last * C, C)], s_ob).wait()


@functools.cache
def _make_sc_call():
    mesh = plsc.VectorSubcoreMesh(core_axis_name="c", subcore_axis_name="s")
    return pl.kernel(
        _sc_body,
        mesh=mesh,
        compiler_params=pltpu.CompilerParams(needs_layout_passes=False),
        out_type=jax.ShapeDtypeStruct((E,), jnp.float32),
        scratch_types=[
            pltpu.VMEM((NP,), jnp.float32),
            pltpu.VMEM((2, C), jnp.int32),
            pltpu.VMEM((2, C), jnp.int32),
            pltpu.VMEM((C,), jnp.float32),
            pltpu.VMEM((C,), jnp.float32),
            pltpu.SemaphoreType.DMA,
            pltpu.SemaphoreType.DMA,
            pltpu.SemaphoreType.DMA,
            pltpu.SemaphoreType.DMA,
            pltpu.SemaphoreType.DMA,
        ],
    )


def kernel(x, edge_index, batch, y, W1, b1, W2, b2, Wc, bc):
    batch3 = batch.reshape(NB, 1, TN)
    logits, clf_logits = _tc_call(
        x, batch3, W1, b1.reshape(1, H), W2, b2.reshape(1, 1),
        Wc, bc.reshape(1, 1))
    att_w = _att_call(logits.reshape(WR, 128))
    edge_att = _make_sc_call()(att_w.reshape(NP), edge_index)
    loss = _loss_call(att_w, clf_logits, y)
    return edge_att.reshape(E, 1), loss.reshape(()), clf_logits

# --- scband reference (transcript-rebuilt; emitter-appended) ---
"""Pipeline reference for scband-gsat-15616501088597 (READ-ONLY COPY).

The authoritative reference and input builder live on the scoring server;
editing this copy changes nothing except your own understanding.
"""

import jax, jax.numpy as jnp
import numpy as np

N = 100000
E = 6400000
D = 128
H = 64
G = 64
FIX_R = 0.7

def setup_inputs(seed: int = 0) -> dict:
    key = jax.random.key(seed)
    ks = jax.random.split(key, 10)
    x = jax.random.normal(ks[0], (N, D), dtype=jnp.float32)
    edge_index = jax.random.randint(ks[1], (2, E), 0, N, dtype=jnp.int32)
    batch = jnp.sort(jax.random.randint(ks[2], (N,), 0, G, dtype=jnp.int32))
    y = jax.random.randint(ks[3], (G, 1), 0, 2, dtype=jnp.int32)
    W1 = jax.random.normal(ks[4], (D, H), dtype=jnp.float32) * (1.0 / np.sqrt(D))
    b1 = jnp.zeros((H,), dtype=jnp.float32)
    W2 = jax.random.normal(ks[5], (H, 1), dtype=jnp.float32) * (1.0 / np.sqrt(H))
    b2 = jnp.zeros((1,), dtype=jnp.float32)
    Wc = jax.random.normal(ks[6], (D, 1), dtype=jnp.float32) * (1.0 / np.sqrt(D))
    bc = jnp.zeros((1,), dtype=jnp.float32)
    return {"x": x, "edge_index": edge_index, "batch": batch, "y": y,
            "W1": W1, "b1": b1, "W2": W2, "b2": b2, "Wc": Wc, "bc": bc}

def reference(x, edge_index, batch, y, W1, b1, W2, b2, Wc, bc):
    # extractor MLP on node embeddings -> per-node attention logits
    h = jax.nn.relu(x @ W1 + b1)
    att_log_logits = h @ W2 + b2              # [N, 1]
    # concrete_sample, eval branch (training=False): plain sigmoid
    att = jax.nn.sigmoid(att_log_logits)      # [N, 1]
    # lift_node_att_to_edge_att: two gathers + elementwise multiply
    src_lifted_att = att[edge_index[0]]       # [E, 1]
    dst_lifted_att = att[edge_index[1]]       # [E, 1]
    edge_att = src_lifted_att * dst_lifted_att
    # clf: mean-pool nodes per graph (segment reduce) + linear head
    seg_sum = jax.ops.segment_sum(x, batch, num_segments=G)
    counts = jax.ops.segment_sum(jnp.ones((N, 1), jnp.float32), batch, num_segments=G)
    pooled = seg_sum / jnp.maximum(counts, 1.0)
    clf_logits = pooled @ Wc + bc             # [G, 1]
    # __loss__: BCE-with-logits (num_class==2, not multi_label) + info loss
    yf = y.astype(jnp.float32)
    pred_loss = jnp.mean(jnp.logaddexp(0.0, clf_logits) - clf_logits * yf)
    r = FIX_R
    info_loss = jnp.mean(att * jnp.log(att / r + 1e-06)
                         + (1.0 - att) * jnp.log((1.0 - att) / (1.0 - r + 1e-06) + 1e-06))
    loss = pred_loss * 1.0 + info_loss * 1.0
    return (edge_att, loss, clf_logits)

if __name__ == "__main__":
    import jax
    _d = setup_inputs()
    print(jax.jit(kernel)(*tuple(_d.values())))

</pallas_src>

<mosaic_0001>
#map = affine_map<(d0, d1) -> (0)>
#map1 = affine_map<(d0, d1) -> (0, 0)>
module attributes {stable_mosaic.version = 14 : i64} {
  func.func @_sc_body(%arg0: i32, %arg1: i32, %arg2: memref<100096xf32, #tpu.memory_space<hbm>>, %arg3: memref<2x6400000xi32, #tpu.memory_space<hbm>>, %arg4: memref<6400000xf32, #tpu.memory_space<hbm>>, %arg5: memref<100096xf32, #tpu.memory_space<vmem>>, %arg6: memref<2x5120xi32, #tpu.memory_space<vmem>>, %arg7: memref<2x5120xi32, #tpu.memory_space<vmem>>, %arg8: memref<5120xf32, #tpu.memory_space<vmem>>, %arg9: memref<5120xf32, #tpu.memory_space<vmem>>, %arg10: memref<!tpu.dma_semaphore, #tpu.memory_space<semaphore_mem>>, %arg11: memref<!tpu.dma_semaphore, #tpu.memory_space<semaphore_mem>>, %arg12: memref<!tpu.dma_semaphore, #tpu.memory_space<semaphore_mem>>, %arg13: memref<!tpu.dma_semaphore, #tpu.memory_space<semaphore_mem>>, %arg14: memref<!tpu.dma_semaphore, #tpu.memory_space<semaphore_mem>>) attributes {dimension_semantics = [#tpu.dimension_semantics<core_parallel>, #tpu.dimension_semantics<subcore_parallel>], iteration_bounds = array<i64: 2, 16>, scalar_prefetch = 0 : i64, scratch_operands = 10 : i64, tpu.core_type = #tpu.core_type<sc_vector_subcore>, window_params = [{transform_indices = #map}, {transform_indices = #map1}, {transform_indices = #map}]} {
    %mul3A = arith.constant 2 : i32
    %mul3A_0 = arith.muli %arg1, %mul3A : i32
    %add3A = arith.addi %mul3A_0, %arg0 : i32
    tpu.enqueue_dma source(%arg2 : memref<100096xf32, #tpu.memory_space<hbm>>) target(%arg5 : memref<100096xf32, #tpu.memory_space<vmem>>) target_semaphore(%arg10 : memref<!tpu.dma_semaphore, #tpu.memory_space<semaphore_mem>>)
    %mul3A_1 = arith.constant 5120 : i32
    %mul3A_2 = arith.muli %add3A, %mul3A_1 : i32
    %dma_start3A = arith.constant 0 : i32
    %dma_start3A_3 = tpu.memref_slice %arg3[%dma_start3A, %mul3A_2] : memref<2x6400000xi32, #tpu.memory_space<hbm>> -> memref<2x5120xi32, #tpu.memory_space<hbm>>
    %dma_start3A_4 = arith.constant 0 : i32
    %dma_start3A_5 = tpu.memref_slice %arg3[%dma_start3A_4, %mul3A_2] : memref<2x6400000xi32, #tpu.memory_space<hbm>> -> memref<2x5120xi32, #tpu.memory_space<hbm>>
    tpu.enqueue_dma source(%dma_start3A_5 : memref<2x5120xi32, #tpu.memory_space<hbm>>) target(%arg6 : memref<2x5120xi32, #tpu.memory_space<vmem>>) target_semaphore(%arg11 : memref<!tpu.dma_semaphore, #tpu.memory_space<semaphore_mem>>)
    tpu.wait_dma2 semaphore(%arg10 : memref<!tpu.dma_semaphore, #tpu.memory_space<semaphore_mem>>) src(%arg2 : memref<100096xf32, #tpu.memory_space<hbm>>) dst(%arg5 : memref<100096xf32, #tpu.memory_space<vmem>>)
    %scan3A = arith.constant 0 : i32
    %scan3A_6 = arith.constant 0 : i32
    %scan3A_7 = arith.constant 20 : i32
    %scan3A_8 = arith.addi %scan3A_6, %scan3A_7 : i32
    %scan3A_9 = arith.constant 1 : i32
    scf.for %scan3A_22 = %scan3A_6 to %scan3A_8 step %scan3A_9  : i32 {
      %mul3A_23 = arith.constant 2 : i32
      %mul3A_24 = arith.muli %mul3A_23, %scan3A_22 : i32
      %mul3A_25 = arith.constant 32 : i32
      %mul3A_26 = arith.muli %mul3A_24, %mul3A_25 : i32
      %add3A_27 = arith.addi %add3A, %mul3A_26 : i32
      %mul3A_28 = arith.constant 2 : i32
      %mul3A_29 = arith.muli %mul3A_28, %scan3A_22 : i32
      %add3A_30 = arith.constant 1 : i32
      %add3A_31 = arith.addi %mul3A_29, %add3A_30 : i32
      %mul3A_32 = arith.constant 32 : i32
      %mul3A_33 = arith.muli %add3A_31, %mul3A_32 : i32
      %add3A_34 = arith.addi %add3A, %mul3A_33 : i32
      %mul3A_35 = arith.constant 2 : i32
      %mul3A_36 = arith.muli %mul3A_35, %scan3A_22 : i32
      %add3A_37 = arith.constant 2 : i32
      %add3A_38 = arith.addi %mul3A_36, %add3A_37 : i32
      %mul3A_39 = arith.constant 32 : i32
      %mul3A_40 = arith.muli %add3A_38, %mul3A_39 : i32
      %add3A_41 = arith.addi %add3A, %mul3A_40 : i32
      %lt3A_42 = arith.constant 1250 : i32
      %lt3A_43 = arith.cmpi slt, %add3A_34, %lt3A_42 : i32
      %convert_element_type3A_44 = arith.extui %lt3A_43 : i1 to i32
      %cond3A_45 = arith.constant 0 : i32
      %cond3A_46 = arith.cmpi ne, %convert_element_type3A_44, %cond3A_45 : i32
      scf.if %cond3A_46 {
        %mul3A_62 = arith.constant 5120 : i32
        %mul3A_63 = arith.muli %add3A_34, %mul3A_62 : i32
        %dma_start3A_64 = arith.constant 0 : i32
        %dma_start3A_65 = tpu.memref_slice %arg3[%dma_start3A_64, %mul3A_63] : memref<2x6400000xi32, #tpu.memory_space<hbm>> -> memref<2x5120xi32, #tpu.memory_space<hbm>>
        %dma_start3A_66 = arith.constant 0 : i32
        %dma_start3A_67 = tpu.memref_slice %arg3[%dma_start3A_66, %mul3A_63] : memref<2x6400000xi32, #tpu.memory_space<hbm>> -> memref<2x5120xi32, #tpu.memory_space<hbm>>
        tpu.enqueue_dma source(%dma_start3A_67 : memref<2x5120xi32, #tpu.memory_space<hbm>>) target(%arg7 : memref<2x5120xi32, #tpu.memory_space<vmem>>) target_semaphore(%arg12 : memref<!tpu.dma_semaphore, #tpu.memory_space<semaphore_mem>>)
      } else {
      }
      %lt3A_47 = arith.constant 1250 : i32
      %lt3A_48 = arith.cmpi slt, %add3A_27, %lt3A_47 : i32
      %convert_element_type3A_49 = arith.extui %lt3A_48 : i1 to i32
      %cond3A_50 = arith.constant 0 : i32
      %cond3A_51 = arith.cmpi ne, %convert_element_type3A_49, %cond3A_50 : i32
      scf.if %cond3A_51 {
        %mul3A_62 = arith.constant 5120 : i32
        %mul3A_63 = arith.muli %add3A_27, %mul3A_62 : i32
        %dma_wait3A = arith.constant 0 : i32
        %dma_wait3A_64 = tpu.memref_slice %arg3[%dma_wait3A, %mul3A_63] : memref<2x6400000xi32, #tpu.memory_space<hbm>> -> memref<2x5120xi32, #tpu.memory_space<hbm>>
        %dma_wait3A_65 = arith.constant 0 : i32
        %dma_wait3A_66 = tpu.memref_slice %arg3[%dma_wait3A_65, %mul3A_63] : memref<2x6400000xi32, #tpu.memory_space<hbm>> -> memref<2x5120xi32, #tpu.memory_space<hbm>>
        tpu.wait_dma2 semaphore(%arg11 : memref<!tpu.dma_semaphore, #tpu.memory_space<semaphore_mem>>) src(%dma_wait3A_66 : memref<2x5120xi32, #tpu.memory_space<hbm>>) dst(%arg6 : memref<2x5120xi32, #tpu.memory_space<vmem>>)
        %gt3A = arith.constant 0 : i32
        %gt3A_67 = arith.cmpi sgt, %scan3A_22, %gt3A : i32
        %lt3A_68 = arith.constant 1250 : i32
        %lt3A_69 = arith.cmpi slt, %add3A_27, %lt3A_68 : i32
        %and3A = arith.andi %gt3A_67, %lt3A_69 : i1
        %convert_element_type3A_70 = arith.extui %and3A : i1 to i32
        %cond3A_71 = arith.constant 0 : i32
        %cond3A_72 = arith.cmpi ne, %convert_element_type3A_70, %cond3A_71 : i32
        scf.if %cond3A_72 {
          %mul3A_79 = arith.constant 5120 : i32
          %mul3A_80 = arith.muli %add3A_27, %mul3A_79 : i32
          %dma_wait3A_81 = tpu.memref_slice %arg4[%mul3A_80] : memref<6400000xf32, #tpu.memory_space<hbm>> -> memref<5120xf32, #tpu.memory_space<hbm>>
          %dma_wait3A_82 = tpu.memref_slice %arg4[%mul3A_80] : memref<6400000xf32, #tpu.memory_space<hbm>> -> memref<5120xf32, #tpu.memory_space<hbm>>
          tpu.wait_dma2 semaphore(%arg13 : memref<!tpu.dma_semaphore, #tpu.memory_space<semaphore_mem>>) src(%arg8 : memref<5120xf32, #tpu.memory_space<vmem>>) dst(%dma_wait3A_82 : memref<5120xf32, #tpu.memory_space<hbm>>)
        } else {
        }
        %parallel_loop3A = arith.constant 0 : i32
        %parallel_loop3A_73 = arith.constant 5120 : i32
        %parallel_loop3A_74 = arith.constant 16 : i32
        scf.for %parallel_loop3A_79 = %parallel_loop3A to %parallel_loop3A_73 step %parallel_loop3A_74  : i32 {
          %parallel_loop3A_80 = arith.constant 0 : i32
          %parallel_loop3A_81 = arith.index_cast %parallel_loop3A_80 : i32 to index
          %parallel_loop3A_82 = arith.index_cast %parallel_loop3A_79 : i32 to index
          %parallel_loop3A_83 = tpu.vector_load %arg6[%parallel_loop3A_81, %parallel_loop3A_82] {strides = array<i32>} : memref<2x5120xi32, #tpu.memory_space<vmem>>, vector<16xi32>,
          %parallel_loop3A_84 = arith.constant 1 : i32
          %parallel_loop3A_85 = arith.index_cast %parallel_loop3A_84 : i32 to index
          %parallel_loop3A_86 = arith.index_cast %parallel_loop3A_79 : i32 to index
          %parallel_loop3A_87 = tpu.vector_load %arg6[%parallel_loop3A_85, %parallel_loop3A_86] {strides = array<i32>} : memref<2x5120xi32, #tpu.memory_space<vmem>>, vector<16xi32>,
          %parallel_loop3A_88 = tpu.vector_load_idx %arg5[%parallel_loop3A_83] : memref<100096xf32, #tpu.memory_space<vmem>>[vector<16xi32>], vector<16xf32>,
          %parallel_loop3A_89 = tpu.vector_load_idx %arg5[%parallel_loop3A_87] : memref<100096xf32, #tpu.memory_space<vmem>>[vector<16xi32>], vector<16xf32>,
          %parallel_loop3A_90 = arith.mulf %parallel_loop3A_88, %parallel_loop3A_89 : vector<16xf32>
          %parallel_loop3A_91 = arith.index_cast %parallel_loop3A_79 : i32 to index
          %parallel_loop3A_92 = tpu.vector_load %arg8[%parallel_loop3A_91] {strides = array<i32>} : memref<5120xf32, #tpu.memory_space<vmem>>, vector<16xf32>,
          tpu.vector_store %arg8[%parallel_loop3A_91], %parallel_loop3A_90 {strides = array<i32>} : memref<5120xf32, #tpu.memory_space<vmem>>, vector<16xf32>,
        } {sc.loop_unroll_factor = 16 : i64, sc.parallel_access}
        %mul3A_75 = arith.constant 5120 : i32
        %mul3A_76 = arith.muli %add3A_27, %mul3A_75 : i32
        %dma_start3A_77 = tpu.memref_slice %arg4[%mul3A_76] : memref<6400000xf32, #tpu.memory_space<hbm>> -> memref<5120xf32, #tpu.memory_space<hbm>>
        %dma_start3A_78 = tpu.memref_slice %arg4[%mul3A_76] : memref<6400000xf32, #tpu.memory_space<hbm>> -> memref<5120xf32, #tpu.memory_space<hbm>>
        tpu.enqueue_dma source(%arg8 : memref<5120xf32, #tpu.memory_space<vmem>>) target(%dma_start3A_78 : memref<5120xf32, #tpu.memory_space<hbm>>) target_semaphore(%arg13 : memref<!tpu.dma_semaphore, #tpu.memory_space<semaphore_mem>>)
      } else {
      }
      %lt3A_52 = arith.constant 1250 : i32
      %lt3A_53 = arith.cmpi slt, %add3A_41, %lt3A_52 : i32
      %convert_element_type3A_54 = arith.extui %lt3A_53 : i1 to i32
      %cond3A_55 = arith.constant 0 : i32
      %cond3A_56 = arith.cmpi ne, %convert_element_type3A_54, %cond3A_55 : i32
      scf.if %cond3A_56 {
        %mul3A_62 = arith.constant 5120 : i32
        %mul3A_63 = arith.muli %add3A_41, %mul3A_62 : i32
        %dma_start3A_64 = arith.constant 0 : i32
        %dma_start3A_65 = tpu.memref_slice %arg3[%dma_start3A_64, %mul3A_63] : memref<2x6400000xi32, #tpu.memory_space<hbm>> -> memref<2x5120xi32, #tpu.memory_space<hbm>>
        %dma_start3A_66 = arith.constant 0 : i32
        %dma_start3A_67 = tpu.memref_slice %arg3[%dma_start3A_66, %mul3A_63] : memref<2x6400000xi32, #tpu.memory_space<hbm>> -> memref<2x5120xi32, #tpu.memory_space<hbm>>
        tpu.enqueue_dma source(%dma_start3A_67 : memref<2x5120xi32, #tpu.memory_space<hbm>>) target(%arg6 : memref<2x5120xi32, #tpu.memory_space<vmem>>) target_semaphore(%arg11 : memref<!tpu.dma_semaphore, #tpu.memory_space<semaphore_mem>>)
      } else {
      }
      %lt3A_57 = arith.constant 1250 : i32
      %lt3A_58 = arith.cmpi slt, %add3A_34, %lt3A_57 : i32
      %convert_element_type3A_59 = arith.extui %lt3A_58 : i1 to i32
      %cond3A_60 = arith.constant 0 : i32
      %cond3A_61 = arith.cmpi ne, %convert_element_type3A_59, %cond3A_60 : i32
      scf.if %cond3A_61 {
        %mul3A_62 = arith.constant 5120 : i32
        %mul3A_63 = arith.muli %add3A_34, %mul3A_62 : i32
        %dma_wait3A = arith.constant 0 : i32
        %dma_wait3A_64 = tpu.memref_slice %arg3[%dma_wait3A, %mul3A_63] : memref<2x6400000xi32, #tpu.memory_space<hbm>> -> memref<2x5120xi32, #tpu.memory_space<hbm>>
        %dma_wait3A_65 = arith.constant 0 : i32
        %dma_wait3A_66 = tpu.memref_slice %arg3[%dma_wait3A_65, %mul3A_63] : memref<2x6400000xi32, #tpu.memory_space<hbm>> -> memref<2x5120xi32, #tpu.memory_space<hbm>>
        tpu.wait_dma2 semaphore(%arg12 : memref<!tpu.dma_semaphore, #tpu.memory_space<semaphore_mem>>) src(%dma_wait3A_66 : memref<2x5120xi32, #tpu.memory_space<hbm>>) dst(%arg7 : memref<2x5120xi32, #tpu.memory_space<vmem>>)
        %gt3A = arith.constant 0 : i32
        %gt3A_67 = arith.cmpi sgt, %scan3A_22, %gt3A : i32
        %lt3A_68 = arith.constant 1250 : i32
        %lt3A_69 = arith.cmpi slt, %add3A_34, %lt3A_68 : i32
        %and3A = arith.andi %gt3A_67, %lt3A_69 : i1
        %convert_element_type3A_70 = arith.extui %and3A : i1 to i32
        %cond3A_71 = arith.constant 0 : i32
        %cond3A_72 = arith.cmpi ne, %convert_element_type3A_70, %cond3A_71 : i32
        scf.if %cond3A_72 {
          %mul3A_79 = arith.constant 5120 : i32
          %mul3A_80 = arith.muli %add3A_34, %mul3A_79 : i32
          %dma_wait3A_81 = tpu.memref_slice %arg4[%mul3A_80] : memref<6400000xf32, #tpu.memory_space<hbm>> -> memref<5120xf32, #tpu.memory_space<hbm>>
          %dma_wait3A_82 = tpu.memref_slice %arg4[%mul3A_80] : memref<6400000xf32, #tpu.memory_space<hbm>> -> memref<5120xf32, #tpu.memory_space<hbm>>
          tpu.wait_dma2 semaphore(%arg14 : memref<!tpu.dma_semaphore, #tpu.memory_space<semaphore_mem>>) src(%arg9 : memref<5120xf32, #tpu.memory_space<vmem>>) dst(%dma_wait3A_82 : memref<5120xf32, #tpu.memory_space<hbm>>)
        } else {
        }
        %parallel_loop3A = arith.constant 0 : i32
        %parallel_loop3A_73 = arith.constant 5120 : i32
        %parallel_loop3A_74 = arith.constant 16 : i32
        scf.for %parallel_loop3A_79 = %parallel_loop3A to %parallel_loop3A_73 step %parallel_loop3A_74  : i32 {
          %parallel_loop3A_80 = arith.constant 0 : i32
          %parallel_loop3A_81 = arith.index_cast %parallel_loop3A_80 : i32 to index
          %parallel_loop3A_82 = arith.index_cast %parallel_loop3A_79 : i32 to index
          %parallel_loop3A_83 = tpu.vector_load %arg7[%parallel_loop3A_81, %parallel_loop3A_82] {strides = array<i32>} : memref<2x5120xi32, #tpu.memory_space<vmem>>, vector<16xi32>,
          %parallel_loop3A_84 = arith.constant 1 : i32
          %parallel_loop3A_85 = arith.index_cast %parallel_loop3A_84 : i32 to index
          %parallel_loop3A_86 = arith.index_cast %parallel_loop3A_79 : i32 to index
          %parallel_loop3A_87 = tpu.vector_load %arg7[%parallel_loop3A_85, %parallel_loop3A_86] {strides = array<i32>} : memref<2x5120xi32, #tpu.memory_space<vmem>>, vector<16xi32>,
          %parallel_loop3A_88 = tpu.vector_load_idx %arg5[%parallel_loop3A_83] : memref<100096xf32, #tpu.memory_space<vmem>>[vector<16xi32>], vector<16xf32>,
          %parallel_loop3A_89 = tpu.vector_load_idx %arg5[%parallel_loop3A_87] : memref<100096xf32, #tpu.memory_space<vmem>>[vector<16xi32>], vector<16xf32>,
          %parallel_loop3A_90 = arith.mulf %parallel_loop3A_88, %parallel_loop3A_89 : vector<16xf32>
          %parallel_loop3A_91 = arith.index_cast %parallel_loop3A_79 : i32 to index
          %parallel_loop3A_92 = tpu.vector_load %arg9[%parallel_loop3A_91] {strides = array<i32>} : memref<5120xf32, #tpu.memory_space<vmem>>, vector<16xf32>,
          tpu.vector_store %arg9[%parallel_loop3A_91], %parallel_loop3A_90 {strides = array<i32>} : memref<5120xf32, #tpu.memory_space<vmem>>, vector<16xf32>,
        } {sc.loop_unroll_factor = 16 : i64, sc.parallel_access}
        %mul3A_75 = arith.constant 5120 : i32
        %mul3A_76 = arith.muli %add3A_34, %mul3A_75 : i32
        %dma_start3A_77 = tpu.memref_slice %arg4[%mul3A_76] : memref<6400000xf32, #tpu.memory_space<hbm>> -> memref<5120xf32, #tpu.memory_space<hbm>>
        %dma_start3A_78 = tpu.memref_slice %arg4[%mul3A_76] : memref<6400000xf32, #tpu.memory_space<hbm>> -> memref<5120xf32, #tpu.memory_space<hbm>>
        tpu.enqueue_dma source(%arg9 : memref<5120xf32, #tpu.memory_space<vmem>>) target(%dma_start3A_78 : memref<5120xf32, #tpu.memory_space<hbm>>) target_semaphore(%arg14 : memref<!tpu.dma_semaphore, #tpu.memory_space<semaphore_mem>>)
      } else {
      }
    }
    %scan3A_10 = arith.constant 20 : i32
    %add3A_11 = arith.constant 1216 : i32
    %add3A_12 = arith.addi %add3A, %add3A_11 : i32
    %add3A_13 = arith.constant 1248 : i32
    %add3A_14 = arith.addi %add3A, %add3A_13 : i32
    %lt3A = arith.constant 1250 : i32
    %lt3A_15 = arith.cmpi slt, %add3A_12, %lt3A : i32
    %convert_element_type3A = arith.extui %lt3A_15 : i1 to i32
    %cond3A = arith.constant 0 : i32
    %cond3A_16 = arith.cmpi ne, %convert_element_type3A, %cond3A : i32
    scf.if %cond3A_16 {
      %mul3A_22 = arith.constant 5120 : i32
      %mul3A_23 = arith.muli %add3A_12, %mul3A_22 : i32
      %dma_wait3A = tpu.memref_slice %arg4[%mul3A_23] : memref<6400000xf32, #tpu.memory_space<hbm>> -> memref<5120xf32, #tpu.memory_space<hbm>>
      %dma_wait3A_24 = tpu.memref_slice %arg4[%mul3A_23] : memref<6400000xf32, #tpu.memory_space<hbm>> -> memref<5120xf32, #tpu.memory_space<hbm>>
      tpu.wait_dma2 semaphore(%arg13 : memref<!tpu.dma_semaphore, #tpu.memory_space<semaphore_mem>>) src(%arg8 : memref<5120xf32, #tpu.memory_space<vmem>>) dst(%dma_wait3A_24 : memref<5120xf32, #tpu.memory_space<hbm>>)
    } else {
    }
    %lt3A_17 = arith.constant 1250 : i32
    %lt3A_18 = arith.cmpi slt, %add3A_14, %lt3A_17 : i32
    %convert_element_type3A_19 = arith.extui %lt3A_18 : i1 to i32
    %cond3A_20 = arith.constant 0 : i32
    %cond3A_21 = arith.cmpi ne, %convert_element_type3A_19, %cond3A_20 : i32
    scf.if %cond3A_21 {
      %mul3A_22 = arith.constant 5120 : i32
      %mul3A_23 = arith.muli %add3A_14, %mul3A_22 : i32
      %dma_wait3A = tpu.memref_slice %arg4[%mul3A_23] : memref<6400000xf32, #tpu.memory_space<hbm>> -> memref<5120xf32, #tpu.memory_space<hbm>>
      %dma_wait3A_24 = tpu.memref_slice %arg4[%mul3A_23] : memref<6400000xf32, #tpu.memory_space<hbm>> -> memref<5120xf32, #tpu.memory_space<hbm>>
      tpu.wait_dma2 semaphore(%arg14 : memref<!tpu.dma_semaphore, #tpu.memory_space<semaphore_mem>>) src(%arg9 : memref<5120xf32, #tpu.memory_space<vmem>>) dst(%dma_wait3A_24 : memref<5120xf32, #tpu.memory_space<hbm>>)
    } else {
    }
    return
  }
}

module attributes {stable_mosaic.version = 14 : i64} {
  func.func @_tc_body(%arg0: i32, %arg1: memref<10000x128xf32, #tpu.memory_space<vmem>>, %arg2: memref<1x1x10000xi32, #tpu.memory_space<vmem>>, %arg3: memref<128x64xf32, #tpu.memory_space<vmem>>, %arg4: memref<1x64xf32, #tpu.memory_space<vmem>>, %arg5: memref<64x1xf32, #tpu.memory_space<vmem>>, %arg6: memref<1x1xf32, #tpu.memory_space<vmem>>, %arg7: memref<128x1xf32, #tpu.memory_space<vmem>>, %arg8: memref<1x1xf32, #tpu.memory_space<vmem>>, %arg9: memref<10000x1xf32, #tpu.memory_space<vmem>>, %arg10: memref<64x1xf32, #tpu.memory_space<vmem>>, %arg11: memref<64x128xf32, #tpu.memory_space<vmem>>, %arg12: memref<64x1xf32, #tpu.memory_space<vmem>>) attributes {dimension_semantics = [#tpu.dimension_semantics<arbitrary>], iteration_bounds = array<i64: 10>, scalar_prefetch = 0 : i64, scratch_operands = 2 : i64, tpu.core_type = #tpu.core_type<tc>, window_params = [{transform_indices = @transform_0, window_bounds = array<i64: 10000, 128>}, {transform_indices = @transform_1, window_bounds = array<i64: 1, 1, 10000>}, {pipeline_mode = #tpu.pipeline_mode<synchronous>, transform_indices = @transform_2, window_bounds = array<i64: 128, 64>}, {pipeline_mode = #tpu.pipeline_mode<synchronous>, transform_indices = @transform_3, window_bounds = array<i64: 1, 64>}, {pipeline_mode = #tpu.pipeline_mode<synchronous>, transform_indices = @transform_4, window_bounds = array<i64: 64, 1>}, {pipeline_mode = #tpu.pipeline_mode<synchronous>, transform_indices = @transform_5, window_bounds = array<i64: 1, 1>}, {pipeline_mode = #tpu.pipeline_mode<synchronous>, transform_indices = @transform_6, window_bounds = array<i64: 128, 1>}, {pipeline_mode = #tpu.pipeline_mode<synchronous>, transform_indices = @transform_7, window_bounds = array<i64: 1, 1>}, {transform_indices = @transform_8, window_bounds = array<i64: 10000, 1>}, {pipeline_mode = #tpu.pipeline_mode<synchronous>, transform_indices = @transform_9, window_bounds = array<i64: 64, 1>}]} {
    %eq3A = arith.constant 0 : i32
    %eq3A_0 = arith.cmpi eq, %arg0, %eq3A : i32
    %convert_element_type3A = arith.extui %eq3A_0 : i1 to i32
    %cond3A = arith.constant 0 : i32
    %cond3A_1 = arith.cmpi ne, %convert_element_type3A, %cond3A : i32
    scf.if %cond3A_1 {
      %broadcast_in_dim3A_57 = arith.constant 0.000000e+00 : f32
      %broadcast_in_dim3A_58 = vector.broadcast %broadcast_in_dim3A_57 : f32 to vector<64x128xf32>
      %swap3A_59 = arith.constant 0 : index
      %swap3A_60 = arith.constant 0 : index
      %swap3A_61 = vector.load %arg11[%swap3A_59, %swap3A_60] : memref<64x128xf32, #tpu.memory_space<vmem>>, vector<64x128xf32>
      tpu.vector_store %arg11[%swap3A_59, %swap3A_60], %broadcast_in_dim3A_58 {strides = array<i32>} : memref<64x128xf32, #tpu.memory_space<vmem>>, vector<64x128xf32>,
      %broadcast_in_dim3A_62 = arith.constant 0.000000e+00 : f32
      %broadcast_in_dim3A_63 = vector.broadcast %broadcast_in_dim3A_62 : f32 to vector<64x1xf32>
      %swap3A_64 = arith.constant 0 : index
      %swap3A_65 = arith.constant 0 : index
      %swap3A_66 = vector.load %arg12[%swap3A_64, %swap3A_65] : memref<64x1xf32, #tpu.memory_space<vmem>>, vector<64x1xf32>
      tpu.vector_store %arg12[%swap3A_64, %swap3A_65], %broadcast_in_dim3A_63 {strides = array<i32>} : memref<64x1xf32, #tpu.memory_space<vmem>>, vector<64x1xf32>,
    } else {
    }
    %get3A = arith.constant 0 : index
    %get3A_2 = arith.constant 0 : index
    %get3A_3 = vector.load %arg1[%get3A, %get3A_2] : memref<10000x128xf32, #tpu.memory_space<vmem>>, vector<10000x128xf32>
    %get3A_4 = arith.constant 0 : index
    %get3A_5 = arith.constant 0 : index
    %get3A_6 = vector.load %arg3[%get3A_4, %get3A_5] : memref<128x64xf32, #tpu.memory_space<vmem>>, vector<128x64xf32>
    %dot_general3A = arith.constant dense<0.000000e+00> : vector<10000x64xf32>
    %dot_general3A_7 = tpu.matmul %get3A_3, %get3A_6, %dot_general3A {dimension_numbers = #tpu.dot_dimension_numbers<[1], [0], [0], [1], [0, 0, 1, 1], [], []>, transpose_lhs_hint = false} : vector<10000x128xf32>, vector<128x64xf32>, vector<10000x64xf32> -> vector<10000x64xf32>
    %get3A_8 = arith.constant 0 : index
    %get3A_9 = arith.constant 0 : index
    %get3A_10 = vector.load %arg4[%get3A_8, %get3A_9] : memref<1x64xf32, #tpu.memory_space<vmem>>, vector<1x64xf32>
    %add3A = vector.broadcast %get3A_10 : vector<1x64xf32> to vector<10000x64xf32>
    %add3A_11 = arith.addf %dot_general3A_7, %add3A : vector<10000x64xf32>
    %max3A = arith.constant 0.000000e+00 : f32
    %max3A_12 = vector.broadcast %max3A : f32 to vector<10000x64xf32>
    %max3A_13 = arith.maximumf %add3A_11, %max3A_12 : vector<10000x64xf32>
    %get3A_14 = arith.constant 0 : index
    %get3A_15 = arith.constant 0 : index
    %get3A_16 = vector.load %arg5[%get3A_14, %get3A_15] : memref<64x1xf32, #tpu.memory_space<vmem>>, vector<64x1xf32>
    %dot_general3A_17 = arith.constant dense<0.000000e+00> : vector<10000x1xf32>
    %dot_general3A_18 = tpu.matmul %max3A_13, %get3A_16, %dot_general3A_17 {dimension_numbers = #tpu.dot_dimension_numbers<[1], [0], [0], [1], [0, 0, 1, 1], [], []>, transpose_lhs_hint = false} : vector<10000x64xf32>, vector<64x1xf32>, vector<10000x1xf32> -> vector<10000x1xf32>
    %get3A_19 = arith.constant 0 : index
    %get3A_20 = arith.constant 0 : index
    %get3A_21 = vector.load %arg6[%get3A_19, %get3A_20] : memref<1x1xf32, #tpu.memory_space<vmem>>, vector<1x1xf32>
    %add3A_22 = vector.broadcast %get3A_21 : vector<1x1xf32> to vector<10000x1xf32>
    %add3A_23 = arith.addf %dot_general3A_18, %add3A_22 : vector<10000x1xf32>
    %swap3A = arith.constant 0 : index
    %swap3A_24 = arith.constant 0 : index
    %swap3A_25 = vector.load %arg9[%swap3A, %swap3A_24] : memref<10000x1xf32, #tpu.memory_space<vmem>>, vector<10000x1xf32>
    tpu.vector_store %arg9[%swap3A, %swap3A_24], %add3A_23 {strides = array<i32>} : memref<10000x1xf32, #tpu.memory_space<vmem>>, vector<10000x1xf32>,
    %get3A_26 = arith.constant 0 : index
    %get3A_27 = arith.constant 0 : index
    %get3A_28 = arith.constant 0 : index
    %get3A_29 = vector.load %arg2[%get3A_26, %get3A_27, %get3A_28] : memref<1x1x10000xi32, #tpu.memory_space<vmem>>, vector<1x1x10000xi32>
    %get3A_30 = vector.shape_cast %get3A_29 : vector<1x1x10000xi32> to vector<1x10000xi32>
    %iota3A = tpu.iota {dimensions = array<i32: 0>} : vector<64x10000xi32>
    %eq3A_31 = vector.broadcast %get3A_30 : vector<1x10000xi32> to vector<64x10000xi32>
    %eq3A_32 = arith.cmpi eq, %iota3A, %eq3A_31 : vector<64x10000xi32>
    %convert_element_type3A_33 = arith.extui %eq3A_32 : vector<64x10000xi1> to vector<64x10000xi32>
    %convert_element_type3A_34 = arith.sitofp %convert_element_type3A_33 : vector<64x10000xi32> to vector<64x10000xf32>
    %get3A_35 = arith.constant 0 : index
    %get3A_36 = arith.constant 0 : index
    %get3A_37 = vector.load %arg11[%get3A_35, %get3A_36] : memref<64x128xf32, #tpu.memory_space<vmem>>, vector<64x128xf32>
    %dot_general3A_38 = arith.constant dense<0.000000e+00> : vector<64x128xf32>
    %dot_general3A_39 = tpu.matmul %convert_element_type3A_34, %get3A_3, %dot_general3A_38 {dimension_numbers = #tpu.dot_dimension_numbers<[1], [0], [0], [1], [0, 0, 1, 1], [], []>, transpose_lhs_hint = false} : vector<64x10000xf32>, vector<10000x128xf32>, vector<64x128xf32> -> vector<64x128xf32>
    %add3A_40 = arith.addf %get3A_37, %dot_general3A_39 : vector<64x128xf32>
    %swap3A_41 = arith.constant 0 : index
    %swap3A_42 = arith.constant 0 : index
    %swap3A_43 = vector.load %arg11[%swap3A_41, %swap3A_42] : memref<64x128xf32, #tpu.memory_space<vmem>>, vector<64x128xf32>
    tpu.vector_store %arg11[%swap3A_41, %swap3A_42], %add3A_40 {strides = array<i32>} : memref<64x128xf32, #tpu.memory_space<vmem>>, vector<64x128xf32>,
    %get3A_44 = arith.constant 0 : index
    %get3A_45 = arith.constant 0 : index
    %get3A_46 = vector.load %arg12[%get3A_44, %get3A_45] : memref<64x1xf32, #tpu.memory_space<vmem>>, vector<64x1xf32>
    %reduce_sum3A = arith.constant dense<0.000000e+00> : vector<64xf32>
    %reduce_sum3A_47 = vector.multi_reduction <add>, %convert_element_type3A_34, %reduce_sum3A [1] : vector<64x10000xf32> to vector<64xf32>
    %broadcast_in_dim3A = vector.shape_cast %reduce_sum3A_47 : vector<64xf32> to vector<64x1xf32>
    %add3A_48 = arith.addf %get3A_46, %broadcast_in_dim3A : vector<64x1xf32>
    %swap3A_49 = arith.constant 0 : index
    %swap3A_50 = arith.constant 0 : index
    %swap3A_51 = vector.load %arg12[%swap3A_49, %swap3A_50] : memref<64x1xf32, #tpu.memory_space<vmem>>, vector<64x1xf32>
    tpu.vector_store %arg12[%swap3A_49, %swap3A_50], %add3A_48 {strides = array<i32>} : memref<64x1xf32, #tpu.memory_space<vmem>>, vector<64x1xf32>,
    %eq3A_52 = arith.constant 9 : i32
    %eq3A_53 = arith.cmpi eq, %arg0, %eq3A_52 : i32
    %convert_element_type3A_54 = arith.extui %eq3A_53 : i1 to i32
    %cond3A_55 = arith.constant 0 : i32
    %cond3A_56 = arith.cmpi ne, %convert_element_type3A_54, %cond3A_55 : i32
    scf.if %cond3A_56 {
      %get3A_57 = arith.constant 0 : index
      %get3A_58 = arith.constant 0 : index
      %get3A_59 = vector.load %arg11[%get3A_57, %get3A_58] : memref<64x128xf32, #tpu.memory_space<vmem>>, vector<64x128xf32>
      %get3A_60 = arith.constant 0 : index
      %get3A_61 = arith.constant 0 : index
      %get3A_62 = vector.load %arg12[%get3A_60, %get3A_61] : memref<64x1xf32, #tpu.memory_space<vmem>>, vector<64x1xf32>
      %max3A_63 = arith.constant 1.000000e+00 : f32
      %max3A_64 = vector.broadcast %max3A_63 : f32 to vector<64x1xf32>
      %max3A_65 = arith.maximumf %get3A_62, %max3A_64 : vector<64x1xf32>
      %div3A = vector.broadcast %max3A_65 : vector<64x1xf32> to vector<64x128xf32>
      %div3A_66 = arith.divf %get3A_59, %div3A : vector<64x128xf32>
      %get3A_67 = arith.constant 0 : index
      %get3A_68 = arith.constant 0 : index
      %get3A_69 = vector.load %arg7[%get3A_67, %get3A_68] : memref<128x1xf32, #tpu.memory_space<vmem>>, vector<128x1xf32>
      %dot_general3A_70 = arith.constant dense<0.000000e+00> : vector<64x1xf32>
      %dot_general3A_71 = tpu.matmul %div3A_66, %get3A_69, %dot_general3A_70 {dimension_numbers = #tpu.dot_dimension_numbers<[1], [0], [0], [1], [0, 0, 1, 1], [], []>, transpose_lhs_hint = false} : vector<64x128xf32>, vector<128x1xf32>, vector<64x1xf32> -> vector<64x1xf32>
      %get3A_72 = arith.constant 0 : index
      %get3A_73 = arith.constant 0 : index
      %get3A_74 = vector.load %arg8[%get3A_72, %get3A_73] : memref<1x1xf32, #tpu.memory_space<vmem>>, vector<1x1xf32>
      %add3A_75 = vector.broadcast %get3A_74 : vector<1x1xf32> to vector<64x1xf32>
      %add3A_76 = arith.addf %dot_general3A_71, %add3A_75 : vector<64x1xf32>
      %swap3A_77 = arith.constant 0 : index
      %swap3A_78 = arith.constant 0 : index
      %swap3A_79 = vector.load %arg10[%swap3A_77, %swap3A_78] : memref<64x1xf32, #tpu.memory_space<vmem>>, vector<64x1xf32>
      tpu.vector_store %arg10[%swap3A_77, %swap3A_78], %add3A_76 {strides = array<i32>} : memref<64x1xf32, #tpu.memory_space<vmem>>, vector<64x1xf32>,
    } else {
    }
    return
  }
  func.func @transform_0(%arg0: i32) -> (i32, i32) {
    %c0_i32 = arith.constant 0 : i32
    %c0_i32_0 = arith.constant 0 : i32
    return %arg0, %c0_i32 : i32, i32
  }
  func.func @transform_1(%arg0: i32) -> (i32, i32, i32) {
    %c0_i32 = arith.constant 0 : i32
    %c0_i32_0 = arith.constant 0 : i32
    %c0_i32_1 = arith.constant 0 : i32
    return %arg0, %c0_i32, %c0_i32_0 : i32, i32, i32
  }
  func.func @transform_2(%arg0: i32) -> (i32, i32) {
    %c0_i32 = arith.constant 0 : i32
    %c0_i32_0 = arith.constant 0 : i32
    %c0_i32_1 = arith.constant 0 : i32
    return %c0_i32, %c0_i32_0 : i32, i32
  }
  func.func @transform_3(%arg0: i32) -> (i32, i32) {
    %c0_i32 = arith.constant 0 : i32
    %c0_i32_0 = arith.constant 0 : i32
    %c0_i32_1 = arith.constant 0 : i32
    return %c0_i32, %c0_i32_0 : i32, i32
  }
  func.func @transform_4(%arg0: i32) -> (i32, i32) {
    %c0_i32 = arith.constant 0 : i32
    %c0_i32_0 = arith.constant 0 : i32
    %c0_i32_1 = arith.constant 0 : i32
    return %c0_i32, %c0_i32_0 : i32, i32
  }
  func.func @transform_5(%arg0: i32) -> (i32, i32) {
    %c0_i32 = arith.constant 0 : i32
    %c0_i32_0 = arith.constant 0 : i32
    %c0_i32_1 = arith.constant 0 : i32
    return %c0_i32, %c0_i32_0 : i32, i32
  }
  func.func @transform_6(%arg0: i32) -> (i32, i32) {
    %c0_i32 = arith.constant 0 : i32
    %c0_i32_0 = arith.constant 0 : i32
    %c0_i32_1 = arith.constant 0 : i32
    return %c0_i32, %c0_i32_0 : i32, i32
  }
  func.func @transform_7(%arg0: i32) -> (i32, i32) {
    %c0_i32 = arith.constant 0 : i32
    %c0_i32_0 = arith.constant 0 : i32
    %c0_i32_1 = arith.constant 0 : i32
    return %c0_i32, %c0_i32_0 : i32, i32
  }
  func.func @transform_8(%arg0: i32) -> (i32, i32) {
    %c0_i32 = arith.constant 0 : i32
    %c0_i32_0 = arith.constant 0 : i32
    return %arg0, %c0_i32 : i32, i32
  }
  func.func @transform_9(%arg0: i32) -> (i32, i32) {
    %c0_i32 = arith.constant 0 : i32
    %c0_i32_0 = arith.constant 0 : i32
    %c0_i32_1 = arith.constant 0 : i32
    return %c0_i32, %c0_i32_0 : i32, i32
  }
}

module attributes {stable_mosaic.version = 14 : i64} {
  func.func @_att_body(%arg0: memref<782x128xf32, #tpu.memory_space<vmem>>, %arg1: memref<782x128xf32, #tpu.memory_space<vmem>>) attributes {dimension_semantics = [], scalar_prefetch = 0 : i64, scratch_operands = 0 : i64, tpu.core_type = #tpu.core_type<tc>} {
    %get3A = arith.constant 0 : index
    %get3A_0 = arith.constant 0 : index
    %get3A_1 = vector.load %arg0[%get3A, %get3A_0] : memref<782x128xf32, #tpu.memory_space<vmem>>, vector<782x128xf32>
    %neg3A = arith.constant 0.000000e+00 : f32
    %neg3A_2 = vector.broadcast %neg3A : f32 to vector<782x128xf32>
    %neg3A_3 = arith.subf %neg3A_2, %get3A_1 : vector<782x128xf32>
    %exp3A = math.exp %neg3A_3 : vector<782x128xf32>
    %add3A = arith.constant 1.000000e+00 : f32
    %add3A_4 = vector.broadcast %add3A : f32 to vector<782x128xf32>
    %add3A_5 = arith.addf %add3A_4, %exp3A : vector<782x128xf32>
    %div3A = arith.constant 1.000000e+00 : f32
    %div3A_6 = vector.broadcast %div3A : f32 to vector<782x128xf32>
    %div3A_7 = arith.divf %div3A_6, %add3A_5 : vector<782x128xf32>
    %swap3A = arith.constant 0 : index
    %swap3A_8 = arith.constant 0 : index
    %swap3A_9 = vector.load %arg1[%swap3A, %swap3A_8] : memref<782x128xf32, #tpu.memory_space<vmem>>, vector<782x128xf32>
    tpu.vector_store %arg1[%swap3A, %swap3A_8], %div3A_7 {strides = array<i32>} : memref<782x128xf32, #tpu.memory_space<vmem>>, vector<782x128xf32>,
    return
  }
}

module attributes {stable_mosaic.version = 14 : i64} {
  func.func @_loss_body(%arg0: memref<782x128xf32, #tpu.memory_space<vmem>>, %arg1: memref<64x1xf32, #tpu.memory_space<vmem>>, %arg2: memref<64x1xi32, #tpu.memory_space<vmem>>, %arg3: memref<1x1xf32, #tpu.memory_space<vmem>>) attributes {dimension_semantics = [], scalar_prefetch = 0 : i64, scratch_operands = 0 : i64, tpu.core_type = #tpu.core_type<tc>} {
    %get3A = arith.constant 0 : index
    %get3A_0 = arith.constant 0 : index
    %get3A_1 = vector.load %arg0[%get3A, %get3A_0] : memref<782x128xf32, #tpu.memory_space<vmem>>, vector<782x128xf32>
    %div3A = arith.constant 0.699999988 : f32
    %div3A_2 = vector.broadcast %div3A : f32 to vector<782x128xf32>
    %div3A_3 = arith.divf %get3A_1, %div3A_2 : vector<782x128xf32>
    %add3A = arith.constant 9.99999997E-7 : f32
    %add3A_4 = vector.broadcast %add3A : f32 to vector<782x128xf32>
    %add3A_5 = arith.addf %div3A_3, %add3A_4 : vector<782x128xf32>
    %log3A = math.log %add3A_5 : vector<782x128xf32>
    %mul3A = arith.mulf %get3A_1, %log3A : vector<782x128xf32>
    %sub3A = arith.constant 1.000000e+00 : f32
    %sub3A_6 = vector.broadcast %sub3A : f32 to vector<782x128xf32>
    %sub3A_7 = arith.subf %sub3A_6, %get3A_1 : vector<782x128xf32>
    %sub3A_8 = arith.constant 1.000000e+00 : f32
    %sub3A_9 = vector.broadcast %sub3A_8 : f32 to vector<782x128xf32>
    %sub3A_10 = arith.subf %sub3A_9, %get3A_1 : vector<782x128xf32>
    %div3A_11 = arith.constant 3.000010e-01 : f32
    %div3A_12 = vector.broadcast %div3A_11 : f32 to vector<782x128xf32>
    %div3A_13 = arith.divf %sub3A_10, %div3A_12 : vector<782x128xf32>
    %add3A_14 = arith.constant 9.99999997E-7 : f32
    %add3A_15 = vector.broadcast %add3A_14 : f32 to vector<782x128xf32>
    %add3A_16 = arith.addf %div3A_13, %add3A_15 : vector<782x128xf32>
    %log3A_17 = math.log %add3A_16 : vector<782x128xf32>
    %mul3A_18 = arith.mulf %sub3A_7, %log3A_17 : vector<782x128xf32>
    %add3A_19 = arith.addf %mul3A, %mul3A_18 : vector<782x128xf32>
    %iota3A = tpu.iota {dimensions = array<i32: 0>} : vector<782x128xi32>
    %mul3A_20 = arith.constant 128 : i32
    %mul3A_21 = vector.broadcast %mul3A_20 : i32 to vector<782x128xi32>
    %mul3A_22 = arith.muli %iota3A, %mul3A_21 : vector<782x128xi32>
    %iota3A_23 = tpu.iota {dimensions = array<i32: 1>} : vector<782x128xi32>
    %add3A_24 = arith.addi %mul3A_22, %iota3A_23 : vector<782x128xi32>
    %lt3A = arith.constant 100000 : i32
    %lt3A_25 = vector.broadcast %lt3A : i32 to vector<782x128xi32>
    %lt3A_26 = arith.cmpi slt, %add3A_24, %lt3A_25 : vector<782x128xi32>
    %jit3A = arith.constant 0.000000e+00 : f32
    %broadcast_in_dim3A = vector.broadcast %jit3A : f32 to vector<782x128xf32>
    %select_n3A = arith.select %lt3A_26, %add3A_19, %broadcast_in_dim3A : vector<782x128xi1>, vector<782x128xf32>
    %reduce_sum3A = vector.shape_cast %select_n3A : vector<782x128xf32> to vector<1x782x128xf32>
    %reduce_sum3A_27 = arith.constant dense<0.000000e+00> : vector<1xf32>
    %reduce_sum3A_28 = vector.multi_reduction <add>, %reduce_sum3A, %reduce_sum3A_27 [1, 2] : vector<1x782x128xf32> to vector<1xf32>
    %reduce_sum3A_29 = vector.shape_cast %reduce_sum3A_28 : vector<1xf32> to vector<1x1x1xf32>
    %reduce_sum3A_30 = vector.extract %reduce_sum3A_29[0, 0, 0] : f32 from vector<1x1x1xf32>
    %div3A_31 = arith.constant 1.000000e+05 : f32
    %div3A_32 = arith.divf %reduce_sum3A_30, %div3A_31 : f32
    %get3A_33 = arith.constant 0 : index
    %get3A_34 = arith.constant 0 : index
    %get3A_35 = vector.load %arg1[%get3A_33, %get3A_34] : memref<64x1xf32, #tpu.memory_space<vmem>>, vector<64x1xf32>
    %get3A_36 = arith.constant 0 : index
    %get3A_37 = arith.constant 0 : index
    %get3A_38 = vector.load %arg2[%get3A_36, %get3A_37] : memref<64x1xi32, #tpu.memory_space<vmem>>, vector<64x1xi32>
    %convert_element_type3A = arith.sitofp %get3A_38 : vector<64x1xi32> to vector<64x1xf32>
    %max3A = arith.constant 0.000000e+00 : f32
    %max3A_39 = vector.broadcast %max3A : f32 to vector<64x1xf32>
    %max3A_40 = arith.maximumf %get3A_35, %max3A_39 : vector<64x1xf32>
    %abs3A = math.absf %get3A_35 : vector<64x1xf32>
    %neg3A = arith.constant 0.000000e+00 : f32
    %neg3A_41 = vector.broadcast %neg3A : f32 to vector<64x1xf32>
    %neg3A_42 = arith.subf %neg3A_41, %abs3A : vector<64x1xf32>
    %exp3A = math.exp %neg3A_42 : vector<64x1xf32>
    %add3A_43 = arith.constant 1.000000e+00 : f32
    %add3A_44 = vector.broadcast %add3A_43 : f32 to vector<64x1xf32>
    %add3A_45 = arith.addf %add3A_44, %exp3A : vector<64x1xf32>
    %log3A_46 = math.log %add3A_45 : vector<64x1xf32>
    %add3A_47 = arith.addf %max3A_40, %log3A_46 : vector<64x1xf32>
    %mul3A_48 = arith.mulf %get3A_35, %convert_element_type3A : vector<64x1xf32>
    %sub3A_49 = arith.subf %add3A_47, %mul3A_48 : vector<64x1xf32>
    %reduce_sum3A_50 = vector.shape_cast %sub3A_49 : vector<64x1xf32> to vector<1x64x1xf32>
    %reduce_sum3A_51 = arith.constant dense<0.000000e+00> : vector<1xf32>
    %reduce_sum3A_52 = vector.multi_reduction <add>, %reduce_sum3A_50, %reduce_sum3A_51 [1, 2] : vector<1x64x1xf32> to vector<1xf32>
    %reduce_sum3A_53 = vector.shape_cast %reduce_sum3A_52 : vector<1xf32> to vector<1x1x1xf32>
    %reduce_sum3A_54 = vector.extract %reduce_sum3A_53[0, 0, 0] : f32 from vector<1x1x1xf32>
    %div3A_55 = arith.constant 6.400000e+01 : f32
    %div3A_56 = arith.divf %reduce_sum3A_54, %div3A_55 : f32
    %add3A_57 = arith.addf %div3A_56, %div3A_32 : f32
    %reshape3A = vector.broadcast %add3A_57 : f32 to vector<1x1xf32>
    %swap3A = arith.constant 0 : index
    %swap3A_58 = arith.constant 0 : index
    %swap3A_59 = vector.load %arg3[%swap3A, %swap3A_58] : memref<1x1xf32, #tpu.memory_space<vmem>>, vector<1x1xf32>
    tpu.vector_store %arg3[%swap3A, %swap3A_58], %reshape3A {strides = array<i32>} : memref<1x1xf32, #tpu.memory_space<vmem>>, vector<1x1xf32>,
    return
  }
}

</mosaic_0001>

<sc_bundles>
// kernel: kernel.6.cloned.1.call-start
scs
__scs_entry_jumppad:
0x0: {  	(pc) =	sbr.rel $0x88, $3  }
0x1: {  	(tag) =	ssettag $0x0;
	lr =	simm.s32 $0x1  }
0x2: {  	[smem:$0x3F97] =	sst lr;
	_ =	strace $0xD0000000  }
0x3: {  	_ = 	snop  }
0x4: {  	_ = 	snop  }
0x5: {  	_ = 	snop  }
0x6: {  	_ = 	snop  }
0x7: {  	_ = 	snop  }
__scs_overlays_trampoline_lowered:
0x8: {  	[smem:$0x3FA6] =	sst s0  }
0x9: {  	[smem:$0x3FA7] =	sst s1  }
0xa: {  	[smem:$0x3FA8] =	sst s2  }
0xb: {  	[smem:$0x3FA9] =	sst s3  }
0xc: {  	[smem:$0x3FAA] =	sst s4  }
0xd: {  	[smem:$0x3FAB] =	sst s5  }
0xe: {  	[smem:$0x3FAC] =	sst s6  }
0xf: {  	[smem:$0x3FAD] =	sst s7  }
0x10: {  	[smem:$0x3FAE] =	sst s8  }
0x11: {  	[smem:$0x3FAF] =	sst s9;
	s0 =	simm.s32 @!p0 $0x0  }
0x12: {  	s1 =	sld [smem:$0x3F95];
	s0 =	simm.s32 @p0 $0x1  }
0x13: {  	[smem:$0x3FB0] =	sst s0;
	s0 =	simm.s32 @!p1 $0x0  }
0x14: {  	s2 =	sld [smem:$0x3F94];
	s0 =	simm.s32 @p1 $0x1  }
0x15: {  	[smem:$0x3FB1] =	sst s0;
	s0 =	simm.s32 @!p2 $0x0  }
0x16: {  	s3 =	sld [smem:$0x3FDB];
	s0 =	simm.s32 @p2 $0x1  }
0x17: {  	s4 =	simm.s32 $0x1BF5;
	[smem:$0x3FB3] =	sst s0  }
0x18: {  	s0 =	sld [smem:$0x3F96];
	_ =	swait.ge [sflag:s4], $0x0  }
0x19: {  	s7 =	sld [smem:$0x3F97]  }
0x1a: {  	s8 =	sadd.s32 $0xFFFFE003, lr  }
0x1b: {  	s9 =	sadd.s32 $0xFFFFFEF7, lr;
	s5 =	simm.s32 $0xFFFFFFFF;
	p2 =	slt.u32 s8, $0xFFFFF086  }
0x1c: {  	p1 =	slt.u32 s9, $0xF7A;
	s5 =	simm.s32 @!p2 $0x0  }
0x1d: {  	s5 =	simm.s32 @p1 $0x1;
	p0 =	seq.s32 s7, s2  }
0x1e: {  	s7 =	smul.u32 @!p0 $0xF7A, s2;
	p2 =	seq.s32 @!p0 s5, $0x0  }
0x1f: {  	s9 =	smul.u32 $0xF7A, s1;
	s8 =	simm.s32 @!p0 $0x1BF5;
	p2 =	por !p2, p0  }
0x20: {  	[sflag:s8] =	ssyncset.s32 @!p0 $0xFFFFF086;
	s6 =	sadd.s32 @!p0 s3, s7;
	s7 =	simm.s32 @!p0 $0x108  }
0x21: {  	s3 =	sadd.s32 s3, s9;
	s6 =	sadd.s32 @!p0 $0x88, s6;
	s7 =	simm.s32 @p2 $0x1082  }
0x22: {  	[simem:s7], [sflag:s8] =	dma.local @!p0 [hbm:s6], $0xF7A  }
0x23: {  	s9 =	sor.u32 $0xD0000000, s2;
	s6 =	simm.s32 $0x108;
	_ =	swait.ge @!p0 [sflag:s8], $0x0  }
0x24: {  	s3 =	sadd.s32 $0x88, s3;
	s6 =	simm.s32 @!p1 $0x1082;
	[sflag:s4] =	ssyncset.s32 $0xFFFFF086  }
0x25: {  	[simem:s6], [sflag:s4] =	dma.local [hbm:s3], $0xF7A  }
0x26: {  	[smem:$0x3F97] =	sst s1;
	(tag) =	ssettag s2;
	_ =	strace s9  }
0x27: {  	s1 =	sld [smem:$0x3FA7]  }
0x28: {  	s2 =	sld [smem:$0x3FA8]  }
0x29: {  	s4 =	sld [smem:$0x3FAA]  }
0x2a: {  	p0 =	seq.s32 s5, $0x0;
	s5 =	sld [smem:$0x3FAB]  }
0x2b: {  	s6 =	sld [smem:$0x3FAC]  }
0x2c: {  	s7 =	sld [smem:$0x3FAD]  }
0x2d: {  	s3 =	simm.s32 $0x108;
	s8 =	sld [smem:$0x3FAE]  }
0x2e: {  	s3 =	simm.s32 @!p0 $0x1082;
	s9 =	sld [smem:$0x3FAF]  }
0x2f: {  	lr =	sadd.s32 s0, s3;
	s0 =	sld [smem:$0x3FA6]  }
0x30: {  	s3 =	sld [smem:$0x3FA9]  }
0x31: {  	[smem:$0x3FB2] =	sst s10  }
0x32: {  	s10 =	sld [smem:$0x3FB0];
	_ =	sdelay $0x3  }
0x33: {  	p0 =	seq.s32 s10, $0x1;
	s10 =	sld [smem:$0x3FB2];
	_ =	sdelay $0x3  }
0x34: {  	[smem:$0x3FB2] =	sst s10  }
0x35: {  	s10 =	sld [smem:$0x3FB1];
	_ =	sdelay $0x3  }
0x36: {  	p1 =	seq.s32 s10, $0x1;
	s10 =	sld [smem:$0x3FB2];
	_ =	sdelay $0x3  }
0x37: {  	[smem:$0x3FB2] =	sst s10  }
0x38: {  	s10 =	sld [smem:$0x3FB3]  }
0x39: {  	_ = 	snop;
	(pc) =	sbr.ind lr, $3  }
0x3a: {  	_ = 	snop  }
0x3b: {  	_ = 	snop  }
0x3c: {  	p2 =	seq.s32 s10, $0x1;
	s10 =	sld [smem:$0x3FB2]  }
0x3d: {  	_ =	shalt  }
0x3e: {  	_ =	shalt  }
0x3f: {  	_ =	shalt  }
0x40: {  	_ =	shalt  }
0x41: {  	_ =	shalt  }
0x42: {  	_ =	shalt  }
0x43: {  	_ =	shalt  }
0x44: {  	_ =	shalt  }
0x45: {  	_ =	shalt  }
0x46: {  	_ =	shalt  }
0x47: {  	_ =	shalt  }
0x48: {  	_ =	shalt  }
0x49: {  	_ =	shalt  }
0x4a: {  	_ =	shalt  }
0x4b: {  	_ =	shalt  }
0x4c: {  	_ =	shalt  }
0x4d: {  	_ =	shalt  }
0x4e: {  	_ =	shalt  }
0x4f: {  	_ =	shalt  }
0x50: {  	_ =	shalt  }
0x51: {  	_ =	shalt  }
0x52: {  	_ =	shalt  }
0x53: {  	_ =	shalt  }
0x54: {  	_ =	shalt  }
0x55: {  	_ =	shalt  }
0x56: {  	_ =	shalt  }
0x57: {  	_ =	shalt  }
0x58: {  	_ =	shalt  }
0x59: {  	_ =	shalt  }
0x5a: {  	_ =	shalt  }
0x5b: {  	_ =	shalt  }
0x5c: {  	_ =	shalt  }
0x5d: {  	_ =	shalt  }
0x5e: {  	_ =	shalt  }
0x5f: {  	_ =	shalt  }
0x60: {  	_ =	shalt  }
0x61: {  	_ =	shalt  }
0x62: {  	_ =	shalt  }
0x63: {  	_ =	shalt  }
0x64: {  	_ =	shalt  }
0x65: {  	_ =	shalt  }
0x66: {  	_ =	shalt  }
0x67: {  	_ =	shalt  }
0x68: {  	_ =	shalt  }
0x69: {  	_ =	shalt  }
0x6a: {  	_ =	shalt  }
0x6b: {  	_ =	shalt  }
0x6c: {  	_ =	shalt  }
0x6d: {  	_ =	shalt  }
0x6e: {  	_ =	shalt  }
0x6f: {  	_ =	shalt  }
0x70: {  	_ =	shalt  }
0x71: {  	_ =	shalt  }
0x72: {  	_ =	shalt  }
0x73: {  	_ =	shalt  }
0x74: {  	_ =	shalt  }
0x75: {  	_ =	shalt  }
0x76: {  	_ =	shalt  }
0x77: {  	_ =	shalt  }
0x78: {  	_ =	shalt  }
0x79: {  	_ =	shalt  }
0x7a: {  	_ =	shalt  }
0x7b: {  	_ =	shalt  }
0x7c: {  	_ =	shalt  }
0x7d: {  	_ =	shalt  }
0x7e: {  	_ =	shalt  }
0x7f: {  	_ =	shalt  }
0x80: {  	_ =	shalt  }
0x81: {  	_ =	shalt  }
0x82: {  	_ =	shalt  }
0x83: {  	_ =	shalt  }
0x84: {  	_ =	shalt  }
0x85: {  	_ =	shalt  }
0x86: {  	_ =	shalt  }
0x87: {  	_ =	shalt  }
.Lfunc_end0:
.L_simem_size_0:
called_computation_lowered:
.L_overlay_start_0:
0x88: {  	s2 =	sld [smem:$0x3FD9]  }
0x89: {  	s3 =	sld [smem:$0x3FFE];
	_ =	sdelay $0x1  }
0x8a: {  	s1 =	srdreg.scid  }
0x8b: {  	s0 =	sand.u32 $0x1, s1  }
0x8c: {  	s14 =	sshll.u32 s0, $0xA;
	s2 =	sadd.s32 s3, s2  }
0x8d: {  	s2 =	sadd.s32 s2, s14  }
0x8e: {  	[smem:$0x3FBE] =	sst s2  }
0x8f: {  	_ = 	snop  }
0x90: {  	s2 =	sld [smem:$0x3FD0];
	_ =	sdelay $0x2  }
0x91: {  	s4 =	simm.s32 $0xA;
	s5 =	simm.s32 $0x10;
	s15 =	sld [smem:$0x3FC8]  }
0x92: {  	[smem:s5], [sflag:s4] =	dma.local [hbm:s2], $0x1  }
0x93: {  	_ =	swait.eq [sflag:s4], $0x1  }
0x94: {  	[sflag:s4] =	ssyncset.done $0x0  }
0x95: {  	[sflag:s4] =	ssyncadd.s32 $0xFFFFFFFF  }
0x96: {  	s16 =	sld [smem:$0x10];
	(tm) =	ssettm $0x1  }
0x97: {  	s17 =	sld [smem:$0x3FFB];
	_ =	sdelay $0x3  }
0x98: {  	_ =	strace s17  }
0x99: {  	s4 =	sld [smem:$0x3FFC];
	_ =	sdelay $0x3  }
0x9a: {  	_ =	strace s4  }
0x9b: {  	s4 =	sld [smem:$0x3FFD];
	_ =	sdelay $0x3  }
0x9c: {  	_ =	strace s4  }
0x9d: {  	_ =	strace $0x8FFFFFFF  }
0x9e: {  	s18 =	sld [smem:$0x3FDB];
	_ =	sdelay $0x1  }
0x9f: {  	s19 =	simm.s32 $_scs_section_size  }
0xa0: {  	s6 =	simm.s32 $_size__tile_overlayer_lowered;
	s7 =	simm.s32 $_tile_overlayer_lowered  }
0xa1: {  	s22 =	simm.s32 $0x1BFF;
	s21 =	sshll.u32 s7, $0x1;
	s4 =	sadd.s32 s19, s18  }
0xa2: {  	s8 =	simm.s32 $0x0;
	s20 =	sshll.u32 s6, $0x1;
	s6 =	sadd.s32 s21, s4  }
0xa3: {  	[timem:s8], [sflag:s22] =	dma.local [hbm:s6], s20  }
0xa4: {  	_ =	swait.ge [sflag:s22], s20  }
0xa5: {  	s5 =	ssub.s32 $0x0, s20;
	[sflag:s22] =	ssyncset.done $0x0  }
0xa6: {  	[sflag:s22] =	ssyncadd.s32 s5;
	_ =	sdelay $0x1  }
0xa7: {  	s23 =	simm.s32 $0x1B8B  }
0xa8: {  	_ =	swait.ge [sflag:s23], $0x1  }
0xa9: {  	[sflag:s23] =	ssyncset.done $0x0  }
0xaa: {  	s25 =	simm.s32 $0x1B8E;
	s24 =	sld [smem:$0x3FFE];
	[sflag:s23] =	ssyncadd.s32 $0xFFFFFFFF  }
0xab: {  	s26 =	simm.s32 $execute0_lowered;
	[smem:$0x3FD2] =	sst s25  }
0xac: {  	s6 =	sshll.u32 s26, $0x1;
	_ =	strace $0x80000046;
	[dreg:$0x1] =	wrdreg $0xFFFFFFFF  }
0xad: {  	s28 =	simm.s32 $_size_execute0_lowered;
	s4 =	sadd.s32 s4, s6;
	[dreg:$0x0] =	wrdreg $0x0  }
0xae: {  	s6 =	sshll.u32 s28, $0x1;
	[dreg:$0x2] =	wrdreg s4  }
0xaf: {  	[dreg:$0x3] =	wrdreg s6  }
0xb0: {  	[dreg:$0x4] =	wrdreg $0xC0  }
0xb1: {  	_ =	task [dreg:s8], $0x5FFFF  }
0xb2: {  	[dreg:$0x1] =	wrdreg $0xFFFFFFFF  }
0xb3: {  	[dreg:$0x0] =	wrdreg $0x60  }
0xb4: {  	[dreg:$0x2] =	wrdreg s24  }
0xb5: {  	[dreg:$0x3] =	wrdreg s15  }
0xb6: {  	[dreg:$0x4] =	wrdreg s16  }
0xb7: {  	[dreg:$0x5] =	wrdreg $0x9  }
0xb8: {  	_ =	task.clear_ibuf [dreg:s8], $0x6FFFF;
	_ =	strace $0x90000046  }
0xb9: {  	s29 =	simm.s32 $0x9;
	_ =	strace $0x80000048  }
0xba: {  	_ =	swait.ge [sflag:s29], $0x1  }
0xbb: {  	[sflag:s29] =	ssyncadd.s32 $0xFFFFFFFF  }
0xbc: {  	_ =	strace $0x90000048  }
0xbd: {  	_ =	sfence  }
0xbe: {  	s30 =	sld [smem:$0x0];
	_ =	sdelay $0x2  }
0xbf: {  	s31 =	sshll.u32 s1, $0xD;
	s1 =	sshrl.u32 s1, $0x2  }
0xc0: {  	s3 =	sand.u32 $0x4000, s31;
	s1 =	sadd.s32 s1, s30  }
0xc1: {  	s0 =	sor.u32 s3, s0;
	s1 =	sshll.u32 s1, $0x11  }
0xc2: {  	s0 =	sor.u32 s1, s0  }
0xc3: {  	s0 =	sadd.s32 $0x8F2B, s0  }
0xc4: {  	[sflag:s0] =	ssyncadd.remote.s32 $0x1  }
0xc5: {  	_ =	sfence.sel $0xFFFF  }
0xc6: {  	[dreg:$0x0] =	wrdreg $0xFFFFFFFF;
	(pc) =	sbr.abs _section_cstart, $3  }
0xc7: {  	[dreg:$0x1] =	wrdreg $0xFFFFFFFF  }
0xc8: {  	_ =	task.clear_ibuf [dreg:s8], $0x2FFFF;
	_ =	strace $0x9FFFFFFF  }
0xc9: {  	(tm) =	ssettm $0x7FFFFFFF  }
tec
execute0_lowered:
.L_overlay_start_1:
0x0: {  	(tag) =	ssettag $0x1  }
0x1: {  	s5 =	rddreg [dreg:$0x0]  }
0x2: {  	s1 =	rddreg [dreg:$0x1]  }
0x3: {  	s2 =	rddreg [dreg:$0x2];
	s3 =	srdreg.scid  }
0x4: {  	s15 =	stileid.u32;
	s0 =	rddreg [dreg:$0x3]  }
0x5: {  	s10 =	simm.s32 $0x1;
	s11 =	simm.s32 $0x2;
	s12 =	simm.s32 $0x1D700  }
0x6: {  	s13 =	simm.s32 $0x3;
	s14 =	simm.s32 $0x1EB00;
	s16 =	simm.s32 $0x0  }
0x7: {  	s4 =	sand.u32 $0x1, s3;
	s6 =	sshll.u32 s15, $0x1;
	s3 =	simm.s32 $0x0  }
.Ltmp0:
0x8: {  	s5 =	sadd.s32 $0xA00, s5;
	p0 =	sne.s32 s15, $0x0;
	(pc) =	sbr.rel .LBB2_1-.Ltmp0, $4  }
0x9: {  	s15 =	simm.s32 $0x4;
	s7 =	ssub.s32 $0x2, s4;
	s4 =	sor.u32 s4, s6  }
0xa: {  	[smem:$0x7FF] =	sst s3;
	s31 =	sshrl.u32 s7, $0x1;
	s8 =	smul.u32 $0x500, s4  }
0xb: {  	_ =	strace $0x80000047;
	s9 =	ssub.s32 s7, s31;
	s7 =	sor.u32 $0x40, s4  }
0xc: {  	s6 =	sadd.s32 s1, s8;
	s8 =	smax.u32 s9, $0x1;
	s9 =	simm.s32 $0x18700  }
.LBB2_9:
0xd: {  	s16 =	sadd.s32 $0x1, s16  }
0xe: {  	_ =	swait.ge [sflag:s15], $0x1400;
	p1 =	sne.s32 s16, s8  }
.Ltmp1:
0xf: {  	[sflag:s15] =	ssyncset.done $0x0;
	(pc) =	sbr.rel @!p1 .LBB2_10-.Ltmp1, $4  }
0x10: {  	s17 =	simm.s32 @!p0 $0x5;
	[sflag:s15] =	ssyncadd.s32 $0xFFFFEC00  }
0x11: {  	_ =	swait.ge @!p0 [sflag:s17], $0x1400  }
0x12: {  	[sflag:s17] =	ssyncset.done @!p0 $0x0  }
0x13: {  	[sflag:s17] =	ssyncadd.s32 @!p0 $0xFFFFEC00  }
.LBB2_1:
0x14: {  	[tilespmem:s3], [sflag:$0x1] =	stream.linear.gather [hbm4b:s5+s3], $0x18700, $0x38;
	[tilespmem:$0x1FF00] =	vst v63  }
.Ltmp2:
0x15: {  	_ = 	snop;
	(pc) =	sbr.rel .LBB2_2-.Ltmp2, $4  }
0x16: {  	[tilespmem:s9], [sflag:$0x2] =	stream.linear.gather [hbm4b:s6+s3], $0x2800, $0x38;
	[tilespmem:$0x1FF00] =	vst v63  }
0x17: {  	_ =	swait.ge [sflag:s10], $0x18700  }
0x18: {  	[sflag:s10] =	ssyncset.done $0x0  }
0x19: {  	s17 =	simm.s32 $0x0;
	[sflag:s10] =	ssyncadd.s32 $0xFFFE7900  }
.LBB2_8:
0x1a: {  	s17 =	sadd.s32 $0x1, s17  }
0x1b: {  	p1 =	sne.s32 s17, $0x14  }
.Ltmp3:
0x1c: {  	_ = 	snop;
	(pc) =	sbr.rel @!p1 .LBB2_9-.Ltmp3, $1  }
0x1d: {  	_ =	sdelay $0x3  }
.LBB2_2:
0x1e: {  	s21 =	sshll.u32 s17, $0x6  }
0x1f: {  	s19 =	sor.u32 s4, s21  }
0x20: {  	s18 =	sor.u32 $0x20, s19  }
0x21: {  	p2 =	sgt.u32 s18, $0x4E1  }
0x22: {  	s20 =	smul.u32 @!p2 $0x500, s18;
	_ =	sdelay $0x1  }
0x23: {  	s22 =	simm.s32 @!p2 $0x0;
	s23 =	simm.s32 @!p2 $0x1AF00;
	s20 =	sadd.s32 @!p2 s1, s20  }
0x24: {  	[tilespmem:s23], [sflag:$0x3] =	stream.linear.gather @!p2 [hbm4b:s20+s22], $0x2800, $0x38;
	[tilespmem:$0x1FF00] =	vst v63  }
0x25: {  	_ =	swait.ge [sflag:s11], $0x2800  }
0x26: {  	p1 =	seq.s32 s17, $0x0;
	[sflag:s11] =	ssyncset.done $0x0  }
0x27: {  	s20 =	simm.s32 @!p1 $0x4;
	[sflag:s11] =	ssyncadd.s32 $0xFFFFD800  }
0x28: {  	_ =	swait.ge @!p1 [sflag:s20], $0x1400  }
0x29: {  	[sflag:s20] =	ssyncset.done @!p1 $0x0  }
0x2a: {  	s31 =	simm.s32 $0x18800;
	[sflag:s20] =	ssyncadd.s32 @!p1 $0xFFFFEC00  }
0x2b: {  	v0 =	vld [tilespmem:s31+$0x70]  }
0x2c: {  	v1 =	vld [tilespmem:s31+$0xF0]  }
0x2d: {  	v2 =	vld [tilespmem:s31+$0xFFFFFF80]  }
0x2e: {  	v3 =	vld [tilespmem:s31+$0xFFFFFF10]  }
0x2f: {  	v4 =	vld [tilespmem:s31+$0xFFFFFF90]  }
0x30: {  	v5 =	vld [tilespmem:s31+$0xFFFFFF20]  }
0x31: {  	v6 =	vld [tilespmem:s31+$0xFFFFFFA0]  }
0x32: {  	v7 =	vld [tilespmem:s31+$0xFFFFFF30]  }
0x33: {  	v8 =	vld [tilespmem:s31+$0xFFFFFFB0]  }
0x34: {  	v9 =	vld [tilespmem:s31+$0xFFFFFF40]  }
0x35: {  	v10 =	vld [tilespmem:s31+$0xFFFFFFC0]  }
0x36: {  	v11 =	vld [tilespmem:s31+$0xFFFFFF50]  }
0x37: {  	v12 =	vld [tilespmem:s31+$0xFFFFFFD0]  }
0x38: {  	v13 =	vld [tilespmem:s31+$0xFFFFFF60]  }
0x39: {  	v14 =	vld [tilespmem:s31+$0xFFFFFFE0]  }
0x3a: {  	v15 =	vld [tilespmem:s31+$0xFFFFFF70]  }
0x3b: {  	v16 =	vld [tilespmem:s31+$0xFFFFFFF0]  }
0x3c: {  	v17 =	vld [tilespmem:s31+$0x0]  }
0x3d: {  	v18 =	vld [tilespmem:s31+$0x80]  }
0x3e: {  	v19 =	vld [tilespmem:s31+$0x10]  }
0x3f: {  	v20 =	vld [tilespmem:s31+$0x90]  }
0x40: {  	v21 =	vld [tilespmem:s31+$0x20]  }
0x41: {  	v22 =	vld [tilespmem:s31+$0xA0]  }
0x42: {  	v23 =	vld [tilespmem:s31+$0x30]  }
0x43: {  	v24 =	vld [tilespmem:s31+$0xB0]  }
0x44: {  	v25 =	vld [tilespmem:s31+$0x40]  }
0x45: {  	v26 =	vld [tilespmem:s31+$0xC0]  }
0x46: {  	v27 =	vld [tilespmem:s31+$0x50]  }
0x47: {  	v28 =	vld [tilespmem:s31+$0xD0]  }
0x48: {  	v29 =	vld [tilespmem:s31+$0x60]  }
0x49: {  	v30 =	vld [tilespmem:s31+$0xE0]  }
0x4a: {  	v31 =	vld [tilespmem:s31+$0xFFFFFF00]  }
0x4b: {  	v0 =	vld.idx.msk [tilespmem:v0+s3+$0x0], $0xffff  }
0x4c: {  	v1 =	vld.idx.msk [tilespmem:v1+s3+$0x0], $0xffff  }
0x4d: {  	v2 =	vld.idx.msk [tilespmem:v2+s3+$0x0], $0xffff  }
0x4e: {  	v3 =	vld.idx.msk [tilespmem:v3+s3+$0x0], $0xffff  }
0x4f: {  	v4 =	vld.idx.msk [tilespmem:v4+s3+$0x0], $0xffff  }
0x50: {  	v5 =	vld.idx.msk [tilespmem:v5+s3+$0x0], $0xffff  }
0x51: {  	v6 =	vld.idx.msk [tilespmem:v6+s3+$0x0], $0xffff  }
0x52: {  	v7 =	vld.idx.msk [tilespmem:v7+s3+$0x0], $0xffff  }
0x53: {  	v8 =	vld.idx.msk [tilespmem:v8+s3+$0x0], $0xffff  }
0x54: {  	v31 =	vld.idx.msk [tilespmem:v31+s3+$0x0], $0xffff  }
0x55: {  	v9 =	vld.idx.msk [tilespmem:v9+s3+$0x0], $0xffff  }
0x56: {  	v10 =	vld.idx.msk [tilespmem:v10+s3+$0x0], $0xffff  }
0x57: {  	v11 =	vld.idx.msk [tilespmem:v11+s3+$0x0], $0xffff  }
0x58: {  	v12 =	vld.idx.msk [tilespmem:v12+s3+$0x0], $0xffff  }
0x59: {  	v15 =	vld.idx.msk [tilespmem:v15+s3+$0x0], $0xffff  }
0x5a: {  	v16 =	vld.idx.msk [tilespmem:v16+s3+$0x0], $0xffff  }
0x5b: {  	v13 =	vld.idx.msk [tilespmem:v13+s3+$0x0], $0xffff  }
0x5c: {  	v14 =	vld.idx.msk [tilespmem:v14+s3+$0x0], $0xffff  }
0x5d: {  	v62 =	vld.idx.msk [tilespmem:v24+s3+$0x0], $0xffff;
	v0 =	vmul.f32 v1, v0  }
0x5e: {  	s20 =	simm.s32 $0x1D780;
	v1 =	vld.idx.msk [tilespmem:v17+s3+$0x0], $0xffff;
	v3 =	vmul.f32 v4, v3  }
0x5f: {  	v4 =	vld.idx.msk [tilespmem:v18+s3+$0x0], $0xffff;
	v63 =	vmul.f32 v16, v15;
	[tilespmem:s20+$0x70] =	vst v0  }
0x60: {  	v0 =	vmul.f32 v6, v5;
	v5 =	vld.idx.msk [tilespmem:v19+s3+$0x0], $0xffff;
	[tilespmem:s20+$0xFFFFFF90] =	vst v3  }
0x61: {  	v3 =	vmul.f32 v8, v7;
	v6 =	vld.idx.msk [tilespmem:v20+s3+$0x0], $0xffff;
	[tilespmem:s20+$0xFFFFFFF0] =	vst v63  }
0x62: {  	v7 =	vld.idx.msk [tilespmem:v22+s3+$0x0], $0xffff;
	[tilespmem:s20+$0xFFFFFFA0] =	vst v0;
	v0 =	vmul.f32 v2, v31  }
0x63: {  	v2 =	vld.idx.msk [tilespmem:v21+s3+$0x0], $0xffff;
	[tilespmem:s20+$0xFFFFFFB0] =	vst v3;
	v3 =	vmul.f32 v10, v9  }
0x64: {  	v8 =	vld.idx.msk [tilespmem:v23+s3+$0x0], $0xffff;
	[tilespmem:s20+$0xFFFFFF80] =	vst v0;
	v0 =	vmul.f32 v12, v11  }
0x65: {  	v4 =	vmul.f32 v4, v1;
	v1 =	vld.idx.msk [tilespmem:v27+s3+$0x0], $0xffff;
	[tilespmem:s20+$0xFFFFFFC0] =	vst v3;
	v3 =	vmul.f32 v14, v13  }
0x66: {  	[tilespmem:s20+$0xFFFFFFD0] =	vst v0;
	v0 =	vld.idx.msk [tilespmem:v25+s3+$0x0], $0xffff  }
0x67: {  	v5 =	vmul.f32 v6, v5;
	[tilespmem:s20+$0xFFFFFFE0] =	vst v3;
	v3 =	vld.idx.msk [tilespmem:v26+s3+$0x0], $0xffff  }
0x68: {  	[tilespmem:s20+$0x0] =	vst v4;
	v4 =	vld.idx.msk [tilespmem:v28+s3+$0x0], $0xffff;
	v6 =	vmul.f32 v7, v2  }
0x69: {  	[tilespmem:s20+$0x10] =	vst v5;
	v2 =	vld.idx.msk [tilespmem:v29+s3+$0x0], $0xffff  }
0x6a: {  	s21 =	sadd.s32 s7, s21;
	s22 =	simm.s32 $0x0;
	s23 =	simm.s32 $0x18A00;
	v5 =	vld.idx.msk [tilespmem:v30+s3+$0x0], $0xffff;
	[tilespmem:s20+$0x20] =	vst v6;
	v6 =	vmul.f32 v62, v8  }
.LBB2_3:
0x6b: {  	v7 =	vld [tilespmem:s23+$0x70]  }
0x6c: {  	s22 =	sadd.s32 $0x100, s22;
	v0 =	vmul.f32 v3, v0;
	v8 =	vld [tilespmem:s23+$0xF0];
	[tilespmem:s20+$0x30] =	vst v6  }
0x6d: {  	p3 =	slt.u32 s22, $0x1300;
	v3 =	vld [tilespmem:s23+$0xFFFFFF80]  }
0x6e: {  	v6 =	vld [tilespmem:s23+$0xFFFFFF10];
	[tilespmem:s20+$0x40] =	vst v0;
	v0 =	vmul.f32 v4, v1  }
0x6f: {  	v1 =	vld [tilespmem:s23+$0xFFFFFF90]  }
0x70: {  	v4 =	vld [tilespmem:s23+$0xFFFFFF20];
	[tilespmem:s20+$0x50] =	vst v0;
	v0 =	vmul.f32 v5, v2  }
0x71: {  	v2 =	vld [tilespmem:s23+$0xFFFFFFA0]  }
0x72: {  	v5 =	vld [tilespmem:s23+$0xFFFFFF30];
	[tilespmem:s20+$0x60] =	vst v0  }
0x73: {  	v0 =	vld.idx.msk [tilespmem:v7+s3+$0x0], $0xffff  }
0x74: {  	v7 =	vld.idx.msk [tilespmem:v8+s3+$0x0], $0xffff  }
0x75: {  	v8 =	vld [tilespmem:s23+$0xFFFFFFB0]  }
0x76: {  	v9 =	vld [tilespmem:s23+$0xFFFFFF40]  }
0x77: {  	v10 =	vld [tilespmem:s23+$0xFFFFFFC0]  }
0x78: {  	v11 =	vld [tilespmem:s23+$0xFFFFFF50]  }
0x79: {  	v12 =	vld [tilespmem:s23+$0xFFFFFFD0]  }
0x7a: {  	v0 =	vmul.f32 v7, v0;
	v13 =	vld [tilespmem:s23+$0xFFFFFF60]  }
0x7b: {  	s20 =	sadd.s32 $0x100, s20;
	v7 =	vld [tilespmem:s23+$0xFFFFFFE0]  }
0x7c: {  	v14 =	vld [tilespmem:s23+$0xFFFFFF70];
	[tilespmem:s20+$0x70] =	vst v0  }
0x7d: {  	v0 =	vld [tilespmem:s23+$0xFFFFFFF0]  }
0x7e: {  	v15 =	vld [tilespmem:s23+$0x0]  }
0x7f: {  	v16 =	vld [tilespmem:s23+$0x80]  }
0x80: {  	v17 =	vld [tilespmem:s23+$0x10]  }
0x81: {  	v18 =	vld [tilespmem:s23+$0x90]  }
0x82: {  	v19 =	vld [tilespmem:s23+$0x20]  }
0x83: {  	v20 =	vld [tilespmem:s23+$0xA0]  }
0x84: {  	v21 =	vld [tilespmem:s23+$0x30]  }
0x85: {  	v22 =	vld [tilespmem:s23+$0xB0]  }
0x86: {  	v23 =	vld [tilespmem:s23+$0x40]  }
0x87: {  	v24 =	vld [tilespmem:s23+$0xC0]  }
0x88: {  	v25 =	vld [tilespmem:s23+$0x50]  }
0x89: {  	v26 =	vld [tilespmem:s23+$0xD0]  }
0x8a: {  	v27 =	vld [tilespmem:s23+$0x60]  }
0x8b: {  	v28 =	vld [tilespmem:s23+$0xE0]  }
0x8c: {  	v29 =	vld [tilespmem:s23+$0xFFFFFF00]  }
0x8d: {  	v3 =	vld.idx.msk [tilespmem:v3+s3+$0x0], $0xffff  }
0x8e: {  	v6 =	vld.idx.msk [tilespmem:v6+s3+$0x0], $0xffff  }
0x8f: {  	v1 =	vld.idx.msk [tilespmem:v1+s3+$0x0], $0xffff  }
0x90: {  	v4 =	vld.idx.msk [tilespmem:v4+s3+$0x0], $0xffff  }
0x91: {  	v2 =	vld.idx.msk [tilespmem:v2+s3+$0x0], $0xffff  }
0x92: {  	v5 =	vld.idx.msk [tilespmem:v5+s3+$0x0], $0xffff  }
0x93: {  	v8 =	vld.idx.msk [tilespmem:v8+s3+$0x0], $0xffff  }
0x94: {  	v29 =	vld.idx.msk [tilespmem:v29+s3+$0x0], $0xffff  }
0x95: {  	v1 =	vmul.f32 v1, v6;
	v6 =	vld.idx.msk [tilespmem:v9+s3+$0x0], $0xffff  }
0x96: {  	v9 =	vld.idx.msk [tilespmem:v10+s3+$0x0], $0xffff  }
0x97: {  	[tilespmem:s20+$0xFFFFFF90] =	vst v1;
	v1 =	vmul.f32 v2, v4;
	v2 =	vld.idx.msk [tilespmem:v11+s3+$0x0], $0xffff  }
0x98: {  	v4 =	vld.idx.msk [tilespmem:v12+s3+$0x0], $0xffff  }
0x99: {  	[tilespmem:s20+$0xFFFFFFA0] =	vst v1;
	v1 =	vmul.f32 v8, v5;
	v5 =	vld.idx.msk [tilespmem:v13+s3+$0x0], $0xffff  }
0x9a: {  	v3 =	vmul.f32 v3, v29;
	v7 =	vld.idx.msk [tilespmem:v7+s3+$0x0], $0xffff  }
0x9b: {  	[tilespmem:s20+$0xFFFFFFB0] =	vst v1;
	v1 =	vld.idx.msk [tilespmem:v14+s3+$0x0], $0xffff  }
0x9c: {  	[tilespmem:s20+$0xFFFFFF80] =	vst v3;
	v3 =	vmul.f32 v9, v6;
	v0 =	vld.idx.msk [tilespmem:v0+s3+$0x0], $0xffff  }
0x9d: {  	v6 =	vld.idx.msk [tilespmem:v15+s3+$0x0], $0xffff  }
0x9e: {  	v2 =	vmul.f32 v4, v2;
	[tilespmem:s20+$0xFFFFFFC0] =	vst v3;
	v3 =	vld.idx.msk [tilespmem:v16+s3+$0x0], $0xffff  }
0x9f: {  	v4 =	vld.idx.msk [tilespmem:v17+s3+$0x0], $0xffff  }
0xa0: {  	[tilespmem:s20+$0xFFFFFFD0] =	vst v2;
	v2 =	vmul.f32 v7, v5;
	v5 =	vld.idx.msk [tilespmem:v18+s3+$0x0], $0xffff  }
0xa1: {  	v7 =	vld.idx.msk [tilespmem:v19+s3+$0x0], $0xffff  }
0xa2: {  	v0 =	vmul.f32 v0, v1;
	[tilespmem:s20+$0xFFFFFFE0] =	vst v2;
	v2 =	vld.idx.msk [tilespmem:v20+s3+$0x0], $0xffff  }
0xa3: {  	v8 =	vld.idx.msk [tilespmem:v21+s3+$0x0], $0xffff  }
0xa4: {  	v1 =	vmul.f32 v3, v6;
	[tilespmem:s20+$0xFFFFFFF0] =	vst v0;
	v6 =	vld.idx.msk [tilespmem:v22+s3+$0x0], $0xffff  }
0xa5: {  	v0 =	vld.idx.msk [tilespmem:v23+s3+$0x0], $0xffff  }
.Ltmp4:
0xa6: {  	v4 =	vmul.f32 v5, v4;
	[tilespmem:s20+$0x0] =	vst v1;
	v3 =	vld.idx.msk [tilespmem:v24+s3+$0x0], $0xffff;
	(pc) =	sbr.rel @p3 .LBB2_3-.Ltmp4, $4  }
0xa7: {  	v1 =	vld.idx.msk [tilespmem:v25+s3+$0x0], $0xffff  }
0xa8: {  	v5 =	vmul.f32 v2, v7;
	[tilespmem:s20+$0x10] =	vst v4;
	v4 =	vld.idx.msk [tilespmem:v26+s3+$0x0], $0xffff  }
0xa9: {  	v2 =	vld.idx.msk [tilespmem:v27+s3+$0x0], $0xffff  }
0xaa: {  	s23 =	sadd.s32 $0x200, s23;
	v6 =	vmul.f32 v6, v8;
	[tilespmem:s20+$0x20] =	vst v5;
	v5 =	vld.idx.msk [tilespmem:v28+s3+$0x0], $0xffff  }
0xab: {  	_ =	sdelay $0x1  }
0xac: {  	v0 =	vmul.f32 v3, v0  }
0xad: {  	[tilespmem:s20+$0x30] =	vst v6;
	v1 =	vmul.f32 v4, v1  }
0xae: {  	s19 =	smul.u32 $0x280, s19;
	[tilespmem:s20+$0x40] =	vst v0;
	v63 =	vmul.f32 v5, v2  }
.Ltmp5:
0xaf: {  	p3 =	sgt.u32 s21, $0x4E1;
	[tilespmem:s20+$0x50] =	vst v1;
	(pc) =	sbr.rel @p2 .LBB2_8-.Ltmp5, $4  }
0xb0: {  	s19 =	sadd.s32 s2, s19;
	[tilespmem:s20+$0x60] =	vst v63;
	s20 =	smul.u32 @!p3 $0x500, s21  }
0xb1: {  	[hbm4b:s19+s3] =	stream.linear.scatter [tilespmem:s12], [sflag:$0x4], $0x1400, $0x38;
	[tilespmem:$0x1FF00] =	vst v63  }
0xb2: {  	s21 =	simm.s32 @!p3 $0x18700;
	s19 =	sadd.s32 @!p3 s1, s20;
	s20 =	simm.s32 @!p3 $0x0  }
0xb3: {  	[tilespmem:s21], [sflag:$0x2] =	stream.linear.gather @!p3 [hbm4b:s19+s20], $0x2800, $0x38;
	[tilespmem:$0x1FF00] =	vst v63  }
0xb4: {  	_ =	swait.ge [sflag:s13], $0x2800  }
0xb5: {  	[sflag:s13] =	ssyncset.done $0x0  }
0xb6: {  	s19 =	simm.s32 @!p1 $0x5;
	[sflag:s13] =	ssyncadd.s32 $0xFFFFD800  }
0xb7: {  	_ =	swait.ge @!p1 [sflag:s19], $0x1400  }
0xb8: {  	[sflag:s19] =	ssyncset.done @!p1 $0x0  }
0xb9: {  	s31 =	simm.s32 $0x1B000;
	[sflag:s19] =	ssyncadd.s32 @!p1 $0xFFFFEC00  }
0xba: {  	v0 =	vld [tilespmem:s31+$0x70]  }
0xbb: {  	v1 =	vld [tilespmem:s31+$0xF0]  }
0xbc: {  	v2 =	vld [tilespmem:s31+$0xFFFFFF80]  }
0xbd: {  	v3 =	vld [tilespmem:s31+$0xFFFFFF10]  }
0xbe: {  	v4 =	vld [tilespmem:s31+$0xFFFFFF90]  }
0xbf: {  	v5 =	vld [tilespmem:s31+$0xFFFFFF20]  }
0xc0: {  	v6 =	vld [tilespmem:s31+$0xFFFFFFA0]  }
0xc1: {  	v7 =	vld [tilespmem:s31+$0xFFFFFF30]  }
0xc2: {  	v8 =	vld [tilespmem:s31+$0xFFFFFFB0]  }
0xc3: {  	v9 =	vld [tilespmem:s31+$0xFFFFFF40]  }
0xc4: {  	v10 =	vld [tilespmem:s31+$0xFFFFFFC0]  }
0xc5: {  	v11 =	vld [tilespmem:s31+$0xFFFFFF50]  }
0xc6: {  	v12 =	vld [tilespmem:s31+$0xFFFFFFD0]  }
0xc7: {  	v13 =	vld [tilespmem:s31+$0xFFFFFF60]  }
0xc8: {  	v14 =	vld [tilespmem:s31+$0xFFFFFFE0]  }
0xc9: {  	v15 =	vld [tilespmem:s31+$0xFFFFFF70]  }
0xca: {  	v16 =	vld [tilespmem:s31+$0xFFFFFFF0]  }
0xcb: {  	v17 =	vld [tilespmem:s31+$0x0]  }
0xcc: {  	v18 =	vld [tilespmem:s31+$0x80]  }
0xcd: {  	v19 =	vld [tilespmem:s31+$0x10]  }
0xce: {  	v20 =	vld [tilespmem:s31+$0x90]  }
0xcf: {  	v21 =	vld [tilespmem:s31+$0x20]  }
0xd0: {  	v22 =	vld [tilespmem:s31+$0xA0]  }
0xd1: {  	v23 =	vld [tilespmem:s31+$0x30]  }
0xd2: {  	v24 =	vld [tilespmem:s31+$0xB0]  }
0xd3: {  	v25 =	vld [tilespmem:s31+$0x40]  }
0xd4: {  	v26 =	vld [tilespmem:s31+$0xC0]  }
0xd5: {  	v27 =	vld [tilespmem:s31+$0x50]  }
0xd6: {  	v28 =	vld [tilespmem:s31+$0xD0]  }
0xd7: {  	v29 =	vld [tilespmem:s31+$0x60]  }
0xd8: {  	v30 =	vld [tilespmem:s31+$0xE0]  }
0xd9: {  	v31 =	vld [tilespmem:s31+$0xFFFFFF00]  }
0xda: {  	v0 =	vld.idx.msk [tilespmem:v0+s3+$0x0], $0xffff  }
0xdb: {  	v1 =	vld.idx.msk [tilespmem:v1+s3+$0x0], $0xffff  }
0xdc: {  	v2 =	vld.idx.msk [tilespmem:v2+s3+$0x0], $0xffff  }
0xdd: {  	v3 =	vld.idx.msk [tilespmem:v3+s3+$0x0], $0xffff  }
0xde: {  	v4 =	vld.idx.msk [tilespmem:v4+s3+$0x0], $0xffff  }
0xdf: {  	v5 =	vld.idx.msk [tilespmem:v5+s3+$0x0], $0xffff  }
0xe0: {  	v6 =	vld.idx.msk [tilespmem:v6+s3+$0x0], $0xffff  }
0xe1: {  	v7 =	vld.idx.msk [tilespmem:v7+s3+$0x0], $0xffff  }
0xe2: {  	v8 =	vld.idx.msk [tilespmem:v8+s3+$0x0], $0xffff  }
0xe3: {  	v31 =	vld.idx.msk [tilespmem:v31+s3+$0x0], $0xffff  }
0xe4: {  	v9 =	vld.idx.msk [tilespmem:v9+s3+$0x0], $0xffff  }
0xe5: {  	v10 =	vld.idx.msk [tilespmem:v10+s3+$0x0], $0xffff  }
0xe6: {  	v11 =	vld.idx.msk [tilespmem:v11+s3+$0x0], $0xffff  }
0xe7: {  	v12 =	vld.idx.msk [tilespmem:v12+s3+$0x0], $0xffff  }
0xe8: {  	v15 =	vld.idx.msk [tilespmem:v15+s3+$0x0], $0xffff  }
0xe9: {  	v16 =	vld.idx.msk [tilespmem:v16+s3+$0x0], $0xffff  }
0xea: {  	v13 =	vld.idx.msk [tilespmem:v13+s3+$0x0], $0xffff  }
0xeb: {  	v14 =	vld.idx.msk [tilespmem:v14+s3+$0x0], $0xffff  }
0xec: {  	v62 =	vld.idx.msk [tilespmem:v24+s3+$0x0], $0xffff;
	v0 =	vmul.f32 v1, v0  }
0xed: {  	s19 =	simm.s32 $0x1EB80;
	v1 =	vld.idx.msk [tilespmem:v17+s3+$0x0], $0xffff;
	v3 =	vmul.f32 v4, v3  }
0xee: {  	v4 =	vld.idx.msk [tilespmem:v18+s3+$0x0], $0xffff;
	v63 =	vmul.f32 v16, v15;
	[tilespmem:s19+$0x70] =	vst v0  }
0xef: {  	v0 =	vmul.f32 v6, v5;
	v5 =	vld.idx.msk [tilespmem:v19+s3+$0x0], $0xffff;
	[tilespmem:s19+$0xFFFFFF90] =	vst v3  }
0xf0: {  	v3 =	vmul.f32 v8, v7;
	v6 =	vld.idx.msk [tilespmem:v20+s3+$0x0], $0xffff;
	[tilespmem:s19+$0xFFFFFFF0] =	vst v63  }
0xf1: {  	v7 =	vld.idx.msk [tilespmem:v22+s3+$0x0], $0xffff;
	[tilespmem:s19+$0xFFFFFFA0] =	vst v0;
	v0 =	vmul.f32 v2, v31  }
0xf2: {  	v2 =	vld.idx.msk [tilespmem:v21+s3+$0x0], $0xffff;
	[tilespmem:s19+$0xFFFFFFB0] =	vst v3;
	v3 =	vmul.f32 v10, v9  }
0xf3: {  	v8 =	vld.idx.msk [tilespmem:v23+s3+$0x0], $0xffff;
	[tilespmem:s19+$0xFFFFFF80] =	vst v0;
	v0 =	vmul.f32 v12, v11  }
0xf4: {  	v4 =	vmul.f32 v4, v1;
	v1 =	vld.idx.msk [tilespmem:v27+s3+$0x0], $0xffff;
	[tilespmem:s19+$0xFFFFFFC0] =	vst v3;
	v3 =	vmul.f32 v14, v13  }
0xf5: {  	[tilespmem:s19+$0xFFFFFFD0] =	vst v0;
	v0 =	vld.idx.msk [tilespmem:v25+s3+$0x0], $0xffff  }
0xf6: {  	v5 =	vmul.f32 v6, v5;
	[tilespmem:s19+$0xFFFFFFE0] =	vst v3;
	v3 =	vld.idx.msk [tilespmem:v26+s3+$0x0], $0xffff  }
0xf7: {  	[tilespmem:s19+$0x0] =	vst v4;
	v4 =	vld.idx.msk [tilespmem:v28+s3+$0x0], $0xffff;
	v6 =	vmul.f32 v7, v2  }
0xf8: {  	[tilespmem:s19+$0x10] =	vst v5;
	v2 =	vld.idx.msk [tilespmem:v29+s3+$0x0], $0xffff  }
0xf9: {  	s20 =	simm.s32 $0x0;
	s21 =	simm.s32 $0x1B200;
	v5 =	vld.idx.msk [tilespmem:v30+s3+$0x0], $0xffff;
	[tilespmem:s19+$0x20] =	vst v6;
	v6 =	vmul.f32 v62, v8  }
.LBB2_6:
0xfa: {  	v7 =	vld [tilespmem:s21+$0x70]  }
0xfb: {  	s20 =	sadd.s32 $0x100, s20;
	v0 =	vmul.f32 v3, v0;
	v8 =	vld [tilespmem:s21+$0xF0];
	[tilespmem:s19+$0x30] =	vst v6  }
0xfc: {  	p1 =	slt.u32 s20, $0x1300;
	v3 =	vld [tilespmem:s21+$0xFFFFFF80]  }
0xfd: {  	v6 =	vld [tilespmem:s21+$0xFFFFFF10];
	[tilespmem:s19+$0x40] =	vst v0;
	v0 =	vmul.f32 v4, v1  }
0xfe: {  	v1 =	vld [tilespmem:s21+$0xFFFFFF90]  }
0xff: {  	v4 =	vld [tilespmem:s21+$0xFFFFFF20];
	[tilespmem:s19+$0x50] =	vst v0;
	v0 =	vmul.f32 v5, v2  }
0x100: {  	v2 =	vld [tilespmem:s21+$0xFFFFFFA0]  }
0x101: {  	v5 =	vld [tilespmem:s21+$0xFFFFFF30];
	[tilespmem:s19+$0x60] =	vst v0  }
0x102: {  	v0 =	vld.idx.msk [tilespmem:v7+s3+$0x0], $0xffff  }
0x103: {  	v7 =	vld.idx.msk [tilespmem:v8+s3+$0x0], $0xffff  }
0x104: {  	v8 =	vld [tilespmem:s21+$0xFFFFFFB0]  }
0x105: {  	v9 =	vld [tilespmem:s21+$0xFFFFFF40]  }
0x106: {  	v10 =	vld [tilespmem:s21+$0xFFFFFFC0]  }
0x107: {  	v11 =	vld [tilespmem:s21+$0xFFFFFF50]  }
0x108: {  	v12 =	vld [tilespmem:s21+$0xFFFFFFD0]  }
0x109: {  	v0 =	vmul.f32 v7, v0;
	v13 =	vld [tilespmem:s21+$0xFFFFFF60]  }
0x10a: {  	s19 =	sadd.s32 $0x100, s19;
	v7 =	vld [tilespmem:s21+$0xFFFFFFE0]  }
0x10b: {  	v14 =	vld [tilespmem:s21+$0xFFFFFF70];
	[tilespmem:s19+$0x70] =	vst v0  }
0x10c: {  	v0 =	vld [tilespmem:s21+$0xFFFFFFF0]  }
0x10d: {  	v15 =	vld [tilespmem:s21+$0x0]  }
0x10e: {  	v16 =	vld [tilespmem:s21+$0x80]  }
0x10f: {  	v17 =	vld [tilespmem:s21+$0x10]  }
0x110: {  	v18 =	vld [tilespmem:s21+$0x90]  }
0x111: {  	v19 =	vld [tilespmem:s21+$0x20]  }
0x112: {  	v20 =	vld [tilespmem:s21+$0xA0]  }
0x113: {  	v21 =	vld [tilespmem:s21+$0x30]  }
0x114: {  	v22 =	vld [tilespmem:s21+$0xB0]  }
0x115: {  	v23 =	vld [tilespmem:s21+$0x40]  }
0x116: {  	v24 =	vld [tilespmem:s21+$0xC0]  }
0x117: {  	v25 =	vld [tilespmem:s21+$0x50]  }
0x118: {  	v26 =	vld [tilespmem:s21+$0xD0]  }
0x119: {  	v27 =	vld [tilespmem:s21+$0x60]  }
0x11a: {  	v28 =	vld [tilespmem:s21+$0xE0]  }
0x11b: {  	v29 =	vld [tilespmem:s21+$0xFFFFFF00]  }
0x11c: {  	v3 =	vld.idx.msk [tilespmem:v3+s3+$0x0], $0xffff  }
0x11d: {  	v6 =	vld.idx.msk [tilespmem:v6+s3+$0x0], $0xffff  }
0x11e: {  	v1 =	vld.idx.msk [tilespmem:v1+s3+$0x0], $0xffff  }
0x11f: {  	v4 =	vld.idx.msk [tilespmem:v4+s3+$0x0], $0xffff  }
0x120: {  	v2 =	vld.idx.msk [tilespmem:v2+s3+$0x0], $0xffff  }
0x121: {  	v5 =	vld.idx.msk [tilespmem:v5+s3+$0x0], $0xffff  }
0x122: {  	v8 =	vld.idx.msk [tilespmem:v8+s3+$0x0], $0xffff  }
0x123: {  	v29 =	vld.idx.msk [tilespmem:v29+s3+$0x0], $0xffff  }
0x124: {  	v1 =	vmul.f32 v1, v6;
	v6 =	vld.idx.msk [tilespmem:v9+s3+$0x0], $0xffff  }
0x125: {  	v9 =	vld.idx.msk [tilespmem:v10+s3+$0x0], $0xffff  }
0x126: {  	[tilespmem:s19+$0xFFFFFF90] =	vst v1;
	v1 =	vmul.f32 v2, v4;
	v2 =	vld.idx.msk [tilespmem:v11+s3+$0x0], $0xffff  }
0x127: {  	v4 =	vld.idx.msk [tilespmem:v12+s3+$0x0], $0xffff  }
0x128: {  	[tilespmem:s19+$0xFFFFFFA0] =	vst v1;
	v1 =	vmul.f32 v8, v5;
	v5 =	vld.idx.msk [tilespmem:v13+s3+$0x0], $0xffff  }
0x129: {  	v3 =	vmul.f32 v3, v29;
	v7 =	vld.idx.msk [tilespmem:v7+s3+$0x0], $0xffff  }
0x12a: {  	[tilespmem:s19+$0xFFFFFFB0] =	vst v1;
	v1 =	vld.idx.msk [tilespmem:v14+s3+$0x0], $0xffff  }
0x12b: {  	[tilespmem:s19+$0xFFFFFF80] =	vst v3;
	v3 =	vmul.f32 v9, v6;
	v0 =	vld.idx.msk [tilespmem:v0+s3+$0x0], $0xffff  }
0x12c: {  	v6 =	vld.idx.msk [tilespmem:v15+s3+$0x0], $0xffff  }
0x12d: {  	v2 =	vmul.f32 v4, v2;
	[tilespmem:s19+$0xFFFFFFC0] =	vst v3;
	v3 =	vld.idx.msk [tilespmem:v16+s3+$0x0], $0xffff  }
0x12e: {  	v4 =	vld.idx.msk [tilespmem:v17+s3+$0x0], $0xffff  }
0x12f: {  	[tilespmem:s19+$0xFFFFFFD0] =	vst v2;
	v2 =	vmul.f32 v7, v5;
	v5 =	vld.idx.msk [tilespmem:v18+s3+$0x0], $0xffff  }
0x130: {  	v7 =	vld.idx.msk [tilespmem:v19+s3+$0x0], $0xffff  }
0x131: {  	v0 =	vmul.f32 v0, v1;
	[tilespmem:s19+$0xFFFFFFE0] =	vst v2;
	v2 =	vld.idx.msk [tilespmem:v20+s3+$0x0], $0xffff  }
0x132: {  	v8 =	vld.idx.msk [tilespmem:v21+s3+$0x0], $0xffff  }
0x133: {  	v1 =	vmul.f32 v3, v6;
	[tilespmem:s19+$0xFFFFFFF0] =	vst v0;
	v6 =	vld.idx.msk [tilespmem:v22+s3+$0x0], $0xffff  }
0x134: {  	v0 =	vld.idx.msk [tilespmem:v23+s3+$0x0], $0xffff  }
.Ltmp6:
0x135: {  	v4 =	vmul.f32 v5, v4;
	[tilespmem:s19+$0x0] =	vst v1;
	v3 =	vld.idx.msk [tilespmem:v24+s3+$0x0], $0xffff;
	(pc) =	sbr.rel @p1 .LBB2_6-.Ltmp6, $4  }
0x136: {  	v1 =	vld.idx.msk [tilespmem:v25+s3+$0x0], $0xffff  }
0x137: {  	v5 =	vmul.f32 v2, v7;
	[tilespmem:s19+$0x10] =	vst v4;
	v4 =	vld.idx.msk [tilespmem:v26+s3+$0x0], $0xffff  }
0x138: {  	v2 =	vld.idx.msk [tilespmem:v27+s3+$0x0], $0xffff  }
0x139: {  	s21 =	sadd.s32 $0x200, s21;
	v6 =	vmul.f32 v6, v8;
	[tilespmem:s19+$0x20] =	vst v5;
	v5 =	vld.idx.msk [tilespmem:v28+s3+$0x0], $0xffff  }
0x13a: {  	_ =	sdelay $0x1  }
0x13b: {  	v0 =	vmul.f32 v3, v0  }
.Ltmp7:
0x13c: {  	[tilespmem:s19+$0x30] =	vst v6;
	v1 =	vmul.f32 v4, v1;
	(pc) =	sbr.rel .LBB2_8-.Ltmp7, $4  }
0x13d: {  	s18 =	smul.u32 $0x280, s18;
	[tilespmem:s19+$0x40] =	vst v0;
	v63 =	vmul.f32 v5, v2  }
0x13e: {  	[tilespmem:s19+$0x50] =	vst v1  }
0x13f: {  	s18 =	sadd.s32 s2, s18;
	[tilespmem:s19+$0x60] =	vst v63  }
0x140: {  	[hbm4b:s18+s3] =	stream.linear.scatter [tilespmem:s14], [sflag:$0x5], $0x1400, $0x38;
	[tilespmem:$0x1FF00] =	vst v63  }
.LBB2_10:
0x141: {  	_ =	sfence.sel $0x180000  }
0x142: {  	[bflag:$0x0] =	sbarrier.arrive $0xFFFF  }
0x143: {  	_ =	strace $0x90000047  }
0x144: {  	s0 =	sadd.s32 @!p0 $0x100000, s0;
	[bflag:$0x2] =	sbarrier.arrive $0xFFFF  }
0x145: {  	[sflag:s0] =	ssyncadd.tile.s32 @!p0 $0x1;
	_ =	shalt  }
.Lfunc_end2:
_tile_overlayer_lowered:
.L_overlay_start_2:
0x146: {  	(tag) =	ssettag $0x2  }
0x147: {  	s0 =	rddreg [dreg:$0x0];
	s2 =	stileid.u32  }
0x148: {  	s1 =	rddreg [dreg:$0x1];
	p0 =	sne.s32 s2, $0x0  }
0x149: {  	s3 =	rddreg [dreg:$0x2];
	[bflag:$0x3] =	sbarrier.arrive $0xFFFF;
	s2 =	simm.s32 @!p0 $0x1C06  }
0x14a: {  	[timem:s3], [sflag:s2] =	dma.local @!p0 [hbm:s0], s1  }
0x14b: {  	s0 =	simm.s32 @!p0 $0x6  }
0x14c: {  	_ =	swait.ge @!p0 [sflag:s0], s1  }
0x14d: {  	s1 =	ssub.s32 @!p0 $0x0, s1;
	[sflag:s0] =	ssyncset.done @!p0 $0x0  }
0x14e: {  	[sflag:s0] =	ssyncadd.s32 @!p0 s1  }
0x14f: {  	[bflag:$0x3] =	sbarrier.arrive $0xFFFF  }
0x150: {  	_ =	shalt  }

</sc_bundles>
